<compile_context>
chip_gen: v7x
topology: tpu7x:2x2x1
jax: 0.10.2.dev20260603
libtpu: 0.0.44.dev20260713+nightly
codegen_flags: <defaults>
</compile_context>

<pallas_src>
import functools

import jax
import jax.numpy as jnp
from jax import lax
from jax.experimental import pallas as pl
from jax.experimental.pallas import tpu as pltpu
from jax.experimental.pallas import tpu_sc as plsc

N_NODES = 10000
N_EDGES = 320000
DIM = 128
N_TYPES = 100
N_EDGE_TYPES = 3000
N_CENTERS = 5
CUTOFF = 5.0

NC = 2
NS = 16
NW = NC * NS
CHUNK_E = 128
CHUNK_G = 64


def _slot_plan(chunk):
    n_chunks = N_EDGES // chunk
    slots = n_chunks // NW + 1
    if slots % 2:
        slots += 1
    return n_chunks, slots
ROWS_PER_S = 624
ROWS_TAIL = N_NODES - NS * ROWS_PER_S

TE = 512
TN = 1000


def _sp(x, beta):
    bx = beta * x
    return (jnp.maximum(bx, 0.0) + jnp.log(1.0 + jnp.exp(-jnp.abs(bx)))) / beta


def _pack_half(x):
    xb = lax.bitcast_convert_type(
        x.astype(jnp.bfloat16).astype(jnp.float32), jnp.int32)
    lo = lax.shift_right_logical(xb[:, :DIM // 2], 16)
    hi = jnp.bitwise_and(xb[:, DIM // 2:], jnp.int32(-65536))
    return lax.bitcast_convert_type(jnp.bitwise_or(lo, hi), jnp.float32)


def _unpack_half_tc(w):
    wi = lax.bitcast_convert_type(w, jnp.int32)
    lo = lax.bitcast_convert_type(lax.shift_left(wi, 16), jnp.float32)
    hi = lax.bitcast_convert_type(
        jnp.bitwise_and(wi, jnp.int32(-65536)), jnp.float32)
    return jnp.concatenate([lo, hi], axis=1)


def _nw_slots(wid, n_chunks):
    extra = n_chunks - NW * (n_chunks // NW)
    return n_chunks // NW + jnp.where(wid < extra, 1, 0)


def _chunk_base(wid, n_w, k, chunk):
    c = jnp.where(k < n_w, wid + NW * k, 0)
    return c * chunk


def _sc_edge_embed_body(atom_hbm, src_hbm, dst_hbm, emb_hbm, e0_hbm,
                        atom_v, src_v0, src_v1, src_v2, dst_v0, dst_v1, dst_v2,
                        et_v0, et_v1, et_v2, ebuf0, ebuf1, ebuf2,
                        s_ld0, s_ld1, s_ld2, s_g0, s_g1, s_g2,
                        s_st0, s_st1, s_st2):
    cid = lax.axis_index("c")
    sid = lax.axis_index("s")
    wid = cid * NS + sid
    CHUNK = CHUNK_E
    N_CHUNKS, SLOTS = _slot_plan(CHUNK)
    n_w = _nw_slots(wid, N_CHUNKS)
    srcs = (src_v0, src_v1, src_v2)
    dsts = (dst_v0, dst_v1, dst_v2)
    ets = (et_v0, et_v1, et_v2)
    ebufs = (ebuf0, ebuf1, ebuf2)
    s_lds = (s_ld0, s_ld1, s_ld2)
    s_gs = (s_g0, s_g1, s_g2)
    s_sts = (s_st0, s_st1, s_st2)

    pltpu.sync_copy(atom_hbm, atom_v)

    def start_loads(k, b):
        base = _chunk_base(wid, n_w, k, CHUNK)
        pltpu.async_copy(src_hbm.at[pl.ds(base, CHUNK)], srcs[b], s_lds[b])
        pltpu.async_copy(dst_hbm.at[pl.ds(base, CHUNK)], dsts[b], s_lds[b])

    def wait_loads(b):
        pltpu.make_async_copy(src_hbm.at[pl.ds(0, CHUNK)], srcs[b],
                              s_lds[b]).wait()
        pltpu.make_async_copy(dst_hbm.at[pl.ds(0, CHUNK)], dsts[b],
                              s_lds[b]).wait()

    def compute_et(b):
        for q in range(CHUNK // 16):
            sl = pl.ds(q * 16, 16)
            ts = plsc.load_gather(atom_v, [srcs[b][sl]])
            td = plsc.load_gather(atom_v, [dsts[b][sl]])
            ets[b][sl] = ts * td + jnp.abs(ts - td)

    def wait_store(b):
        pltpu.make_async_copy(ebufs[b], e0_hbm.at[pl.ds(0, CHUNK)],
                              s_sts[b]).wait()

    start_loads(0, 0)
    start_loads(1, 1)
    start_loads(2, 2)
    wait_loads(0)
    compute_et(0)
    pltpu.async_copy(emb_hbm.at[ets[0]], ebufs[0], s_gs[0])
    wait_loads(1)
    compute_et(1)
    pltpu.async_copy(emb_hbm.at[ets[1]], ebufs[1], s_gs[1])

    def make_step(bj, bp, first_round_guard, guard_next):
        def _step(j, t):
            wait_loads(bj)
            compute_et(bj)
            if first_round_guard:
                @pl.when(t >= 1)
                def _():
                    wait_store(bj)
            else:
                wait_store(bj)
            pltpu.async_copy(emb_hbm.at[ets[bj]], ebufs[bj], s_gs[bj])
            pltpu.make_async_copy(emb_hbm.at[ets[bp]], ebufs[bp],
                                  s_gs[bp]).wait()
            pltpu.async_copy(
                ebufs[bp],
                e0_hbm.at[pl.ds(_chunk_base(wid, n_w, j - 2, CHUNK), CHUNK)],
                s_sts[bp])
            if guard_next:
                @pl.when(j + 1 < SLOTS)
                def _():
                    start_loads(j + 1, bp)
            else:
                start_loads(j + 1, bp)
        return _step

    step_a = make_step(2, 0, True, False)
    step_b = make_step(0, 1, False, False)
    step_c = make_step(1, 2, False, True)

    def outer(t, carry):
        j = 2 + 3 * t
        step_a(j, t)
        step_b(j + 1, t)
        step_c(j + 2, t)
        return carry

    lax.fori_loop(0, (SLOTS - 2) // 3, outer, 0)
    bp = (SLOTS - 2) % 3
    pltpu.make_async_copy(emb_hbm.at[ets[bp]], ebufs[bp], s_gs[bp]).wait()
    pltpu.async_copy(
        ebufs[bp],
        e0_hbm.at[pl.ds(_chunk_base(wid, n_w, SLOTS - 2, CHUNK), CHUNK)],
        s_sts[bp])
    bl = (SLOTS - 1) % 3
    pltpu.make_async_copy(emb_hbm.at[ets[bl]], ebufs[bl], s_gs[bl]).wait()
    wait_store((SLOTS - 3) % 3)
    wait_store(bp)


@functools.partial(jax.jit)
def _sc_edge_embed(atom_types, src, dst, edge_emb):
    mesh = plsc.VectorSubcoreMesh(core_axis_name="c", subcore_axis_name="s",
                                  num_cores=NC, num_subcores=NS)
    return pl.kernel(
        _sc_edge_embed_body,
        out_type=jax.ShapeDtypeStruct((N_EDGES, DIM // 2), jnp.float32),
        mesh=mesh,
        scratch_types=(
            [pltpu.VMEM((N_NODES,), jnp.int32)]
            + [pltpu.VMEM((CHUNK_E,), jnp.int32)] * 9
            + [pltpu.VMEM((CHUNK_E, DIM // 2), jnp.float32)] * 3
            + [pltpu.SemaphoreType.DMA] * 9
        ),
        compiler_params=pltpu.CompilerParams(needs_layout_passes=False,
                                             use_tc_tiling_on_sc=False),
    )(atom_types, src, dst, edge_emb)


def _sc_gather_scatter_body(n1_hbm, rf_hbm, src_hbm, dst_hbm, zero_hbm,
                            out_hbm,
                            src_v0, src_v1, src_v2, dst_v0, dst_v1, dst_v2,
                            g_v0, g_v1, g_v2, rf_v0, rf_v1, rf_v2, acc,
                            s_ld0, s_ld1, s_ld2, s_g0, s_g1, s_g2):
    cid = lax.axis_index("c")
    sid = lax.axis_index("s")
    wid = cid * NS + sid
    CHUNK = CHUNK_G
    N_CHUNKS, SLOTS = _slot_plan(CHUNK)
    n_w = _nw_slots(wid, N_CHUNKS)
    srcs = (src_v0, src_v1, src_v2)
    dsts = (dst_v0, dst_v1, dst_v2)
    gs = (g_v0, g_v1, g_v2)
    rfs = (rf_v0, rf_v1, rf_v2)
    s_lds = (s_ld0, s_ld1, s_ld2)
    s_gs = (s_g0, s_g1, s_g2)

    pltpu.sync_copy(zero_hbm.at[pl.ds(0, ROWS_PER_S)],
                    acc.at[pl.ds(sid * ROWS_PER_S, ROWS_PER_S)])

    @pl.when(sid == 0)
    def _():
        pltpu.sync_copy(zero_hbm.at[pl.ds(0, ROWS_TAIL)],
                        acc.at[pl.ds(NS * ROWS_PER_S, ROWS_TAIL)])

    plsc.subcore_barrier()

    def start_loads(k, b):
        base = _chunk_base(wid, n_w, k, CHUNK)
        pltpu.async_copy(src_hbm.at[pl.ds(base, CHUNK)], srcs[b], s_lds[b])
        pltpu.async_copy(dst_hbm.at[pl.ds(base, CHUNK)], dsts[b], s_lds[b])
        pltpu.async_copy(rf_hbm.at[pl.ds(base, CHUNK)], rfs[b], s_lds[b])

    def wait_loads(b):
        pltpu.make_async_copy(src_hbm.at[pl.ds(0, CHUNK)], srcs[b],
                              s_lds[b]).wait()
        pltpu.make_async_copy(dst_hbm.at[pl.ds(0, CHUNK)], dsts[b],
                              s_lds[b]).wait()
        pltpu.make_async_copy(rf_hbm.at[pl.ds(0, CHUNK)], rfs[b],
                              s_lds[b]).wait()

    def process(k, bp):
        pltpu.make_async_copy(n1_hbm.at[srcs[bp]], gs[bp], s_gs[bp]).wait()
        rf_v = rfs[bp]

        @plsc.parallel_loop(0, CHUNK, step=1, unroll=2)
        def row(r):
            for q in range(DIM // 32):
                sl_w = pl.ds(q * 16, 16)
                sl_hi = pl.ds(DIM // 2 + q * 16, 16)
                rhi = plsc.bitcast(rf_v[r, sl_w], jnp.int32)
                efi = plsc.bitcast(rf_v[r, sl_hi], jnp.int32)
                gi = plsc.bitcast(gs[bp][r, sl_w], jnp.int32)
                g_lo = plsc.bitcast(lax.shift_left(gi, 16), jnp.float32)
                g_hi = plsc.bitcast(
                    jnp.bitwise_and(gi, jnp.int32(-65536)), jnp.float32)
                rh_lo = plsc.bitcast(lax.shift_left(rhi, 16), jnp.float32)
                rh_hi = plsc.bitcast(
                    jnp.bitwise_and(rhi, jnp.int32(-65536)), jnp.float32)
                ef_lo = plsc.bitcast(lax.shift_left(efi, 16), jnp.float32)
                ef_hi = plsc.bitcast(
                    jnp.bitwise_and(efi, jnp.int32(-65536)), jnp.float32)
                rf_v[r, sl_w] = g_lo * rh_lo + ef_lo
                rf_v[r, sl_hi] = g_hi * rh_hi + ef_hi

        @pl.when(k < n_w)
        def _():
            pltpu.sync_copy(rf_v, acc.at[dsts[bp]], add=True)

    start_loads(0, 0)
    start_loads(1, 1)
    start_loads(2, 2)
    wait_loads(0)
    pltpu.async_copy(n1_hbm.at[srcs[0]], gs[0], s_gs[0])
    wait_loads(1)
    pltpu.async_copy(n1_hbm.at[srcs[1]], gs[1], s_gs[1])

    def make_step(bj, bp, guard_next):
        def _step(j):
            wait_loads(bj)
            pltpu.async_copy(n1_hbm.at[srcs[bj]], gs[bj], s_gs[bj])
            process(j - 2, bp)
            if guard_next:
                @pl.when(j + 1 < SLOTS)
                def _():
                    start_loads(j + 1, bp)
            else:
                start_loads(j + 1, bp)
        return _step

    step_a = make_step(2, 0, False)
    step_b = make_step(0, 1, False)
    step_c = make_step(1, 2, True)

    def outer(t, carry):
        j = 2 + 3 * t
        step_a(j)
        step_b(j + 1)
        step_c(j + 2)
        return carry

    lax.fori_loop(0, (SLOTS - 2) // 3, outer, 0)
    process(SLOTS - 2, (SLOTS - 2) % 3)
    pltpu.make_async_copy(n1_hbm.at[srcs[(SLOTS - 1) % 3]],
                          gs[(SLOTS - 1) % 3],
                          s_gs[(SLOTS - 1) % 3]).wait()
    plsc.subcore_barrier()
    pltpu.sync_copy(acc.at[pl.ds(sid * ROWS_PER_S, ROWS_PER_S)],
                    out_hbm.at[cid, pl.ds(sid * ROWS_PER_S, ROWS_PER_S)])

    @pl.when(sid == 0)
    def _():
        pltpu.sync_copy(acc.at[pl.ds(NS * ROWS_PER_S, ROWS_TAIL)],
                        out_hbm.at[cid, pl.ds(NS * ROWS_PER_S, ROWS_TAIL)])


@functools.partial(jax.jit)
def _sc_gather_scatter(node1, rhef, src, dst, zeros):
    mesh = plsc.VectorSubcoreMesh(core_axis_name="c", subcore_axis_name="s",
                                  num_cores=NC, num_subcores=NS)
    return pl.kernel(
        _sc_gather_scatter_body,
        out_type=jax.ShapeDtypeStruct((NC, N_NODES, DIM), jnp.float32),
        mesh=mesh,
        scratch_types=(
            [pltpu.VMEM((CHUNK_G,), jnp.int32)] * 6
            + [pltpu.VMEM((CHUNK_G, DIM // 2), jnp.float32)] * 3
            + [pltpu.VMEM((CHUNK_G, DIM), jnp.float32)] * 3
            + [pltpu.VMEM_SHARED((N_NODES, DIM), jnp.float32)]
            + [pltpu.SemaphoreType.DMA] * 6
        ),
        compiler_params=pltpu.CompilerParams(needs_layout_passes=False,
                                             use_tc_tiling_on_sc=False),
    )(node1, rhef, src, dst, zeros)


def _tc_edge_mlp_body(last, packed_in, e_ref, d_ref, w1_ref, b1_ref,
                      r1_ref, rb1_ref, r2_ref, rb2_ref, w3_ref, b3_ref,
                      *outs):
    if last:
        rhef_ref, = outs
    else:
        eo_ref, rhef_ref = outs
    e_in = (_unpack_half_tc(e_ref[...]) if packed_in
            else e_ref[...].astype(jnp.float32))
    e = _sp(jnp.dot(e_in, w1_ref[...],
                    preferred_element_type=jnp.float32) + b1_ref[...], 0.5)
    if not last:
        eo_ref[...] = e.astype(jnp.bfloat16)
    ef_p = _pack_half(jnp.dot(e, w3_ref[...],
                              preferred_element_type=jnp.float32)
                      + b3_ref[...])
    gap = CUTOFF / (N_CENTERS - 1)
    centers = lax.broadcasted_iota(
        jnp.int32, (1, N_CENTERS), 1).astype(jnp.float32) * gap
    radial = d_ref[...] - centers
    rbf = jnp.exp((-1.0 / gap) * radial * radial)
    s = _sp(jnp.dot(rbf, r1_ref[...],
                    preferred_element_type=jnp.float32) + rb1_ref[...], 0.5)
    rh_p = _pack_half(jnp.dot(s, r2_ref[...],
                              preferred_element_type=jnp.float32)
                      + rb2_ref[...])
    rhef_ref[...] = jnp.concatenate([rh_p, ef_p], axis=1)


def _tc_edge_mlp(e_in, dists, c, last, packed_in):
    grid = (N_EDGES // TE,)
    wspec = lambda shape: pl.BlockSpec(shape, lambda i: (0,) * len(shape))
    espec = pl.BlockSpec((TE, DIM), lambda i: (i, 0))
    pshape = jax.ShapeDtypeStruct((N_EDGES, DIM), jnp.float32)
    eshape = jax.ShapeDtypeStruct((N_EDGES, DIM), jnp.bfloat16)
    if last:
        out_specs, out_shape = [espec], [pshape]
    else:
        out_specs, out_shape = [espec, espec], [eshape, pshape]
    in_e_spec = (pl.BlockSpec((TE, DIM // 2), lambda i: (i, 0)) if packed_in
                 else espec)
    return pl.pallas_call(
        functools.partial(_tc_edge_mlp_body, last, packed_in),
        grid=grid,
        in_specs=[
            in_e_spec,
            pl.BlockSpec((TE, 1), lambda i: (i, 0)),
            wspec((DIM, DIM)), wspec((1, DIM)),
            wspec((N_CENTERS, DIM)), wspec((1, DIM)),
            wspec((DIM, DIM)), wspec((1, DIM)),
            wspec((DIM, DIM)), wspec((1, DIM)),
        ],
        out_specs=out_specs,
        out_shape=out_shape,
    )(e_in, dists,
      c['edge1_W'], c['edge1_b'].reshape(1, DIM),
      c['rbf1_W'], c['rbf1_b'].reshape(1, DIM),
      c['rbf2_W'], c['rbf2_b'].reshape(1, DIM),
      c['edge3_W'], c['edge3_b'].reshape(1, DIM))


def _tc_init_body(a_ref, emb_ref, w_ref, b_ref, h_ref, n1_ref):
    onehot = (a_ref[...] ==
              lax.broadcasted_iota(jnp.int32, (TN, N_TYPES), 1)
              ).astype(jnp.float32)
    h = jnp.dot(onehot, emb_ref[...], preferred_element_type=jnp.float32)
    h_ref[...] = h
    n1_ref[...] = _pack_half(jnp.dot(h, w_ref[...],
                                     preferred_element_type=jnp.float32)
                             + b_ref[...])


def _tc_init(atom_types, emb, w, b):
    grid = (N_NODES // TN,)
    wspec = lambda shape: pl.BlockSpec(shape, lambda i: (0,) * len(shape))
    nspec = pl.BlockSpec((TN, DIM), lambda i: (i, 0))
    return pl.pallas_call(
        _tc_init_body,
        grid=grid,
        in_specs=[pl.BlockSpec((TN, 1), lambda i: (i, 0)),
                  wspec((N_TYPES, DIM)), wspec((DIM, DIM)), wspec((1, DIM))],
        out_specs=[nspec, pl.BlockSpec((TN, DIM // 2), lambda i: (i, 0))],
        out_shape=[jax.ShapeDtypeStruct((N_NODES, DIM), jnp.float32),
                   jax.ShapeDtypeStruct((N_NODES, DIM // 2), jnp.float32)],
    )(atom_types.reshape(N_NODES, 1), emb, w, b.reshape(1, DIM))


def _tc_update_body(last, p_ref, h_ref, w2_ref, b2_ref, w3_ref, b3_ref,
                    nw_ref, nb_ref, *outs):
    agg = p_ref[0] + p_ref[1]
    t = _sp(jnp.dot(agg, w2_ref[...],
                    preferred_element_type=jnp.float32) + b2_ref[...], 0.5)
    nh = jnp.dot(t, w3_ref[...],
                 preferred_element_type=jnp.float32) + b3_ref[...]
    h = h_ref[...] + nh
    outs[0][...] = h
    if not last:
        outs[1][...] = _pack_half(
            jnp.dot(h, nw_ref[...],
                    preferred_element_type=jnp.float32) + nb_ref[...])


def _tc_update(partial, h, c, nxt, last):
    n_out = 1 if last else 2
    grid = (N_NODES // TN,)
    wspec = lambda shape: pl.BlockSpec(shape, lambda i: (0,) * len(shape))
    nspec = pl.BlockSpec((TN, DIM), lambda i: (i, 0))
    nw = nxt['node1_W'] if not last else c['node3_W']
    nb = nxt['node1_b'] if not last else c['node3_b']
    return pl.pallas_call(
        functools.partial(_tc_update_body, last),
        grid=grid,
        in_specs=[pl.BlockSpec((NC, TN, DIM), lambda i: (0, i, 0)),
                  nspec,
                  wspec((DIM, DIM)), wspec((1, DIM)),
                  wspec((DIM, DIM)), wspec((1, DIM)),
                  wspec((DIM, DIM)), wspec((1, DIM))],
        out_specs=([nspec] if last else
                   [nspec, pl.BlockSpec((TN, DIM // 2), lambda i: (i, 0))]),
        out_shape=([jax.ShapeDtypeStruct((N_NODES, DIM), jnp.float32)]
                   + ([] if last else
                      [jax.ShapeDtypeStruct((N_NODES, DIM // 2),
                                            jnp.float32)])),
    )(partial, h,
      c['node2_W'], c['node2_b'].reshape(1, DIM),
      c['node3_W'], c['node3_b'].reshape(1, DIM),
      nw, nb.reshape(1, DIM))


def _tc_readout_body(h0_ref, h1_ref, h2_ref, h3_ref, w1_ref, b1_ref,
                     w2_ref, b2_ref, o_ref):
    i = pl.program_id(0)
    z = (jnp.dot(h0_ref[...], w1_ref[0:DIM, :],
                 preferred_element_type=jnp.float32)
         + jnp.dot(h1_ref[...], w1_ref[DIM:2 * DIM, :],
                   preferred_element_type=jnp.float32)
         + jnp.dot(h2_ref[...], w1_ref[2 * DIM:3 * DIM, :],
                   preferred_element_type=jnp.float32)
         + jnp.dot(h3_ref[...], w1_ref[3 * DIM:4 * DIM, :],
                   preferred_element_type=jnp.float32)
         + b1_ref[...])
    y = jnp.dot(_sp(z, 1.0), w2_ref[...],
                preferred_element_type=jnp.float32) + b2_ref[...]
    part = jnp.sum(y, axis=0, keepdims=True)

    @pl.when(i == 0)
    def _():
        o_ref[...] = part

    @pl.when(i != 0)
    def _():
        o_ref[...] = o_ref[...] + part


def _tc_readout(hs, w1, b1, w2, b2):
    grid = (N_NODES // TN,)
    wspec = lambda shape: pl.BlockSpec(shape, lambda i: (0,) * len(shape))
    nspec = pl.BlockSpec((TN, DIM), lambda i: (i, 0))
    return pl.pallas_call(
        _tc_readout_body,
        grid=grid,
        in_specs=[nspec] * 4 + [wspec((4 * DIM, 64)), wspec((1, 64)),
                                wspec((64, 1)), wspec((1, 1))],
        out_specs=pl.BlockSpec((1, 1), lambda i: (0, 0)),
        out_shape=jax.ShapeDtypeStruct((1, 1), jnp.float32),
    )(hs[0], hs[1], hs[2], hs[3], w1, b1.reshape(1, 64), w2,
      b2.reshape(1, 1))


def kernel(atom_types, edge_index, edge_distances, params):
    src = edge_index[0]
    dst = edge_index[1]
    atom_types = atom_types.astype(jnp.int32)
    src = src.astype(jnp.int32)
    dst = dst.astype(jnp.int32)
    dists = edge_distances.reshape(N_EDGES, 1)
    zeros = jnp.zeros((ROWS_PER_S, DIM), jnp.float32)

    convs = params['convs']
    emb_b = lax.bitcast_convert_type(
        params['edge_emb'].astype(jnp.bfloat16).astype(jnp.float32),
        jnp.int32)
    emb_p = lax.bitcast_convert_type(
        jnp.bitwise_or(
            lax.shift_right_logical(emb_b[:, :DIM // 2], 16),
            jnp.bitwise_and(emb_b[:, DIM // 2:], jnp.int32(-65536))),
        jnp.float32)
    e = _sc_edge_embed(atom_types, src, dst, emb_p)
    h, node1 = _tc_init(atom_types, params['atom_emb'],
                        convs[0]['node1_W'], convs[0]['node1_b'])
    hs = [h]
    for l, c in enumerate(convs):
        last = l == len(convs) - 1
        outs = _tc_edge_mlp(e, dists, c, last, packed_in=(l == 0))
        if last:
            rhef, = outs
        else:
            e, rhef = outs
        partial = _sc_gather_scatter(node1, rhef, src, dst, zeros)
        nxt = convs[l + 1] if not last else None
        ups = _tc_update(partial, h, c, nxt, last)
        h = ups[0]
        node1 = ups[1] if not last else None
        hs.append(h)
    return _tc_readout(hs, params['out1_W'], params['out1_b'],
                       params['out2_W'], params['out2_b'])

# --- scband reference (transcript-rebuilt; emitter-appended) ---
"""Pipeline reference for scband-mgcnmodel-36180804502170 (READ-ONLY COPY).

The authoritative reference and input builder live on the scoring server;
editing this copy changes nothing except your own understanding.
"""

import jax, jax.numpy as jnp
import numpy as np

N_NODES = 10000
N_EDGES = 320000
DIM = 128
EDGE_DIM = 128
N_CONV = 3
N_TYPES = 100
N_EDGE_TYPES = 3000
CUTOFF = 5.0
WIDTH = 1.0
N_CENTERS = int(np.ceil((CUTOFF - 0.0) / WIDTH))  # RBFLayer fan_out = 5
OUT_DIM = 1


def _softplus(x, beta):
    # torch nn.Softplus(beta=b): (1/b) * log(1 + exp(b*x)); logaddexp is stable so threshold not needed
    return (1.0 / beta) * jnp.logaddexp(0.0, beta * x)


def setup_inputs(seed: int = 0):
    key = jax.random.key(seed)
    kit = iter(jax.random.split(key, 64))
    atom_types = jax.random.randint(next(kit), (N_NODES,), 0, 50)
    edge_index = jax.random.randint(next(kit), (2, N_EDGES), 0, N_NODES)
    edge_distances = jax.random.uniform(next(kit), (N_EDGES, 1), minval=0.0, maxval=CUTOFF)

    def lin(i, o):
        W = jax.random.normal(next(kit), (i, o), jnp.float32) * 0.1
        b = jnp.zeros((o,), jnp.float32)
        return W, b

    params = {}
    params['atom_emb'] = jax.random.normal(next(kit), (N_TYPES, DIM), jnp.float32) * 0.1
    params['edge_emb'] = jax.random.normal(next(kit), (N_EDGE_TYPES, EDGE_DIM), jnp.float32) * 0.1
    convs = []
    for _ in range(N_CONV):
        c = {}
        c['node1_W'], c['node1_b'] = lin(DIM, DIM)       # MultiLevelInteraction.node_layer1
        c['edge1_W'], c['edge1_b'] = lin(EDGE_DIM, EDGE_DIM)  # edge_layer1
        c['rbf1_W'], c['rbf1_b'] = lin(N_CENTERS, DIM)   # VEConv.linear_layer1
        c['rbf2_W'], c['rbf2_b'] = lin(DIM, DIM)         # VEConv.linear_layer2
        c['edge3_W'], c['edge3_b'] = lin(EDGE_DIM, DIM)  # VEConv.linear_layer3
        c['node2_W'], c['node2_b'] = lin(DIM, DIM)       # node_layer2
        c['node3_W'], c['node3_b'] = lin(DIM, DIM)       # node_layer3
        convs.append(c)
    params['convs'] = convs
    params['out1_W'], params['out1_b'] = lin(DIM * (N_CONV + 1), 64)
    params['out2_W'], params['out2_b'] = lin(64, OUT_DIM)
    return {'atom_types': atom_types, 'edge_index': edge_index,
            'edge_distances': edge_distances, 'params': params}


def _forward(edge_distances, params, atom_types, edge_index):
    src = edge_index[0]
    dst = edge_index[1]
    # AtomEmbedding
    h = jnp.take(params['atom_emb'], atom_types, axis=0)
    # EdgeEmbedding: edge type = t_src * t_dst + |t_src - t_dst|
    t = atom_types
    etype = t[src] * t[dst] + jnp.abs(t[src] - t[dst])
    e = jnp.take(params['edge_emb'], etype, axis=0)
    # RBFLayer: centers = linspace(low, high, n_centers), gap = centers[1]-centers[0]
    centers = jnp.linspace(0.0, CUTOFF, N_CENTERS)
    gap = centers[1] - centers[0]
    radial = edge_distances - centers[None, :]
    rbf = jnp.exp((-1.0 / gap) * radial ** 2)  # [E, N_CENTERS]
    all_h = [h]
    for c in params['convs']:
        node1 = h @ c['node1_W'] + c['node1_b']
        e = _softplus(e @ c['edge1_W'] + c['edge1_b'], 0.5)
        # VEConv: rbf MLP per edge
        rh = _softplus(rbf @ c['rbf1_W'] + c['rbf1_b'], 0.5) @ c['rbf2_W'] + c['rbf2_b']
        ef = e @ c['edge3_W'] + c['edge3_b']
        # update_all: sum(u_mul_e(node1, rh)) + sum(copy_e(ef)) reduced on dst
        msg = jnp.take(node1, src, axis=0) * rh + ef
        agg = jax.ops.segment_sum(msg, dst, num_segments=N_NODES)
        nh = _softplus(agg @ c['node2_W'] + c['node2_b'], 0.5) @ c['node3_W'] + c['node3_b']
        h = h + nh
        all_h.append(h)
    hcat = jnp.concatenate(all_h, axis=1)  # [N, DIM*(N_CONV+1)]
    out = _softplus(hcat @ params['out1_W'] + params['out1_b'], 1.0) @ params['out2_W'] + params['out2_b']
    # SumPooling readout over a single batched graph -> [1, OUT_DIM]
    return jnp.sum(out, axis=0, keepdims=True)


def reference(atom_types, edge_index, edge_distances, params):
    return _forward(edge_distances, params, atom_types, edge_index)

if __name__ == "__main__":
    import jax
    _d = setup_inputs()
    print(jax.jit(kernel)(*tuple(_d.values())))

</pallas_src>

<mosaic_0001>
#map = affine_map<(d0, d1) -> (0)>
#map1 = affine_map<(d0, d1) -> (0, 0)>
module attributes {stable_mosaic.version = 14 : i64} {
  func.func @_sc_edge_embed_body(%arg0: i32, %arg1: i32, %arg2: memref<10000xi32, #tpu.memory_space<hbm>>, %arg3: memref<320000xi32, #tpu.memory_space<hbm>>, %arg4: memref<320000xi32, #tpu.memory_space<hbm>>, %arg5: memref<3000x64xf32, #tpu.memory_space<hbm>>, %arg6: memref<320000x64xf32, #tpu.memory_space<hbm>>, %arg7: memref<10000xi32, #tpu.memory_space<vmem>>, %arg8: memref<128xi32, #tpu.memory_space<vmem>>, %arg9: memref<128xi32, #tpu.memory_space<vmem>>, %arg10: memref<128xi32, #tpu.memory_space<vmem>>, %arg11: memref<128xi32, #tpu.memory_space<vmem>>, %arg12: memref<128xi32, #tpu.memory_space<vmem>>, %arg13: memref<128xi32, #tpu.memory_space<vmem>>, %arg14: memref<128xi32, #tpu.memory_space<vmem>>, %arg15: memref<128xi32, #tpu.memory_space<vmem>>, %arg16: memref<128xi32, #tpu.memory_space<vmem>>, %arg17: memref<128x64xf32, #tpu.memory_space<vmem>>, %arg18: memref<128x64xf32, #tpu.memory_space<vmem>>, %arg19: memref<128x64xf32, #tpu.memory_space<vmem>>, %arg20: memref<!tpu.dma_semaphore, #tpu.memory_space<semaphore_mem>>, %arg21: memref<!tpu.dma_semaphore, #tpu.memory_space<semaphore_mem>>, %arg22: memref<!tpu.dma_semaphore, #tpu.memory_space<semaphore_mem>>, %arg23: memref<!tpu.dma_semaphore, #tpu.memory_space<semaphore_mem>>, %arg24: memref<!tpu.dma_semaphore, #tpu.memory_space<semaphore_mem>>, %arg25: memref<!tpu.dma_semaphore, #tpu.memory_space<semaphore_mem>>, %arg26: memref<!tpu.dma_semaphore, #tpu.memory_space<semaphore_mem>>, %arg27: memref<!tpu.dma_semaphore, #tpu.memory_space<semaphore_mem>>, %arg28: memref<!tpu.dma_semaphore, #tpu.memory_space<semaphore_mem>>) attributes {dimension_semantics = [#tpu.dimension_semantics<core_parallel>, #tpu.dimension_semantics<subcore_parallel>], iteration_bounds = array<i64: 2, 16>, scalar_prefetch = 0 : i64, scratch_operands = 22 : i64, tpu.core_type = #tpu.core_type<sc_vector_subcore>, window_params = [{transform_indices = #map}, {transform_indices = #map}, {transform_indices = #map}, {transform_indices = #map1}, {transform_indices = #map1}]} {
    %mul3A = arith.constant 16 : i32
    %mul3A_0 = arith.muli %arg0, %mul3A : i32
    %add3A = arith.addi %mul3A_0, %arg1 : i32
    %lt3A = arith.constant 4 : i32
    %lt3A_1 = arith.cmpi slt, %add3A, %lt3A : i32
    %jit3A = arith.constant 1 : i32
    %jit3A_2 = arith.constant 0 : i32
    %select_n3A = arith.select %lt3A_1, %jit3A, %jit3A_2 : i32
    %add3A_3 = arith.constant 78 : i32
    %add3A_4 = arith.addi %add3A_3, %select_n3A : i32
    "tpu.region"() ({
      %run_scoped3A = tpu.sem_alloc : memref<!tpu.dma_semaphore, #tpu.memory_space<semaphore_mem>>
      tpu.enqueue_dma source(%arg2 : memref<10000xi32, #tpu.memory_space<hbm>>) target(%arg7 : memref<10000xi32, #tpu.memory_space<vmem>>) target_semaphore(%run_scoped3A : memref<!tpu.dma_semaphore, #tpu.memory_space<semaphore_mem>>)
      tpu.wait_dma2 semaphore(%run_scoped3A : memref<!tpu.dma_semaphore, #tpu.memory_space<semaphore_mem>>) src(%arg2 : memref<10000xi32, #tpu.memory_space<hbm>>) dst(%arg7 : memref<10000xi32, #tpu.memory_space<vmem>>)
      tpu.yield
    }) : () -> ()
    %gt3A = arith.constant 0 : i32
    %gt3A_5 = arith.cmpi sgt, %add3A_4, %gt3A : i32
    %add3A_6 = arith.constant 0 : i32
    %add3A_7 = arith.addi %add3A, %add3A_6 : i32
    %jit3A_8 = arith.constant 0 : i32
    %select_n3A_9 = arith.select %gt3A_5, %add3A_7, %jit3A_8 : i32
    %mul3A_10 = arith.constant 128 : i32
    %mul3A_11 = arith.muli %select_n3A_9, %mul3A_10 : i32
    %dma_start3A = tpu.memref_slice %arg3[%mul3A_11] : memref<320000xi32, #tpu.memory_space<hbm>> -> memref<128xi32, #tpu.memory_space<hbm>>
    %dma_start3A_12 = tpu.memref_slice %arg3[%mul3A_11] : memref<320000xi32, #tpu.memory_space<hbm>> -> memref<128xi32, #tpu.memory_space<hbm>>
    tpu.enqueue_dma source(%dma_start3A_12 : memref<128xi32, #tpu.memory_space<hbm>>) target(%arg8 : memref<128xi32, #tpu.memory_space<vmem>>) target_semaphore(%arg20 : memref<!tpu.dma_semaphore, #tpu.memory_space<semaphore_mem>>)
    %dma_start3A_13 = tpu.memref_slice %arg4[%mul3A_11] : memref<320000xi32, #tpu.memory_space<hbm>> -> memref<128xi32, #tpu.memory_space<hbm>>
    %dma_start3A_14 = tpu.memref_slice %arg4[%mul3A_11] : memref<320000xi32, #tpu.memory_space<hbm>> -> memref<128xi32, #tpu.memory_space<hbm>>
    tpu.enqueue_dma source(%dma_start3A_14 : memref<128xi32, #tpu.memory_space<hbm>>) target(%arg11 : memref<128xi32, #tpu.memory_space<vmem>>) target_semaphore(%arg20 : memref<!tpu.dma_semaphore, #tpu.memory_space<semaphore_mem>>)
    %gt3A_15 = arith.constant 1 : i32
    %gt3A_16 = arith.cmpi sgt, %add3A_4, %gt3A_15 : i32
    %add3A_17 = arith.constant 32 : i32
    %add3A_18 = arith.addi %add3A, %add3A_17 : i32
    %jit3A_19 = arith.constant 0 : i32
    %select_n3A_20 = arith.select %gt3A_16, %add3A_18, %jit3A_19 : i32
    %mul3A_21 = arith.constant 128 : i32
    %mul3A_22 = arith.muli %select_n3A_20, %mul3A_21 : i32
    %dma_start3A_23 = tpu.memref_slice %arg3[%mul3A_22] : memref<320000xi32, #tpu.memory_space<hbm>> -> memref<128xi32, #tpu.memory_space<hbm>>
    %dma_start3A_24 = tpu.memref_slice %arg3[%mul3A_22] : memref<320000xi32, #tpu.memory_space<hbm>> -> memref<128xi32, #tpu.memory_space<hbm>>
    tpu.enqueue_dma source(%dma_start3A_24 : memref<128xi32, #tpu.memory_space<hbm>>) target(%arg9 : memref<128xi32, #tpu.memory_space<vmem>>) target_semaphore(%arg21 : memref<!tpu.dma_semaphore, #tpu.memory_space<semaphore_mem>>)
    %dma_start3A_25 = tpu.memref_slice %arg4[%mul3A_22] : memref<320000xi32, #tpu.memory_space<hbm>> -> memref<128xi32, #tpu.memory_space<hbm>>
    %dma_start3A_26 = tpu.memref_slice %arg4[%mul3A_22] : memref<320000xi32, #tpu.memory_space<hbm>> -> memref<128xi32, #tpu.memory_space<hbm>>
    tpu.enqueue_dma source(%dma_start3A_26 : memref<128xi32, #tpu.memory_space<hbm>>) target(%arg12 : memref<128xi32, #tpu.memory_space<vmem>>) target_semaphore(%arg21 : memref<!tpu.dma_semaphore, #tpu.memory_space<semaphore_mem>>)
    %gt3A_27 = arith.constant 2 : i32
    %gt3A_28 = arith.cmpi sgt, %add3A_4, %gt3A_27 : i32
    %add3A_29 = arith.constant 64 : i32
    %add3A_30 = arith.addi %add3A, %add3A_29 : i32
    %jit3A_31 = arith.constant 0 : i32
    %select_n3A_32 = arith.select %gt3A_28, %add3A_30, %jit3A_31 : i32
    %mul3A_33 = arith.constant 128 : i32
    %mul3A_34 = arith.muli %select_n3A_32, %mul3A_33 : i32
    %dma_start3A_35 = tpu.memref_slice %arg3[%mul3A_34] : memref<320000xi32, #tpu.memory_space<hbm>> -> memref<128xi32, #tpu.memory_space<hbm>>
    %dma_start3A_36 = tpu.memref_slice %arg3[%mul3A_34] : memref<320000xi32, #tpu.memory_space<hbm>> -> memref<128xi32, #tpu.memory_space<hbm>>
    tpu.enqueue_dma source(%dma_start3A_36 : memref<128xi32, #tpu.memory_space<hbm>>) target(%arg10 : memref<128xi32, #tpu.memory_space<vmem>>) target_semaphore(%arg22 : memref<!tpu.dma_semaphore, #tpu.memory_space<semaphore_mem>>)
    %dma_start3A_37 = tpu.memref_slice %arg4[%mul3A_34] : memref<320000xi32, #tpu.memory_space<hbm>> -> memref<128xi32, #tpu.memory_space<hbm>>
    %dma_start3A_38 = tpu.memref_slice %arg4[%mul3A_34] : memref<320000xi32, #tpu.memory_space<hbm>> -> memref<128xi32, #tpu.memory_space<hbm>>
    tpu.enqueue_dma source(%dma_start3A_38 : memref<128xi32, #tpu.memory_space<hbm>>) target(%arg13 : memref<128xi32, #tpu.memory_space<vmem>>) target_semaphore(%arg22 : memref<!tpu.dma_semaphore, #tpu.memory_space<semaphore_mem>>)
    %dma_wait3A = arith.constant 0 : i32
    %dma_wait3A_39 = tpu.memref_slice %arg3[%dma_wait3A] : memref<320000xi32, #tpu.memory_space<hbm>> -> memref<128xi32, #tpu.memory_space<hbm>>
    %dma_wait3A_40 = arith.constant 0 : i32
    %dma_wait3A_41 = tpu.memref_slice %arg3[%dma_wait3A_40] : memref<320000xi32, #tpu.memory_space<hbm>> -> memref<128xi32, #tpu.memory_space<hbm>>
    tpu.wait_dma2 semaphore(%arg20 : memref<!tpu.dma_semaphore, #tpu.memory_space<semaphore_mem>>) src(%dma_wait3A_41 : memref<128xi32, #tpu.memory_space<hbm>>) dst(%arg8 : memref<128xi32, #tpu.memory_space<vmem>>)
    %dma_wait3A_42 = arith.constant 0 : i32
    %dma_wait3A_43 = tpu.memref_slice %arg4[%dma_wait3A_42] : memref<320000xi32, #tpu.memory_space<hbm>> -> memref<128xi32, #tpu.memory_space<hbm>>
    %dma_wait3A_44 = arith.constant 0 : i32
    %dma_wait3A_45 = tpu.memref_slice %arg4[%dma_wait3A_44] : memref<320000xi32, #tpu.memory_space<hbm>> -> memref<128xi32, #tpu.memory_space<hbm>>
    tpu.wait_dma2 semaphore(%arg20 : memref<!tpu.dma_semaphore, #tpu.memory_space<semaphore_mem>>) src(%dma_wait3A_45 : memref<128xi32, #tpu.memory_space<hbm>>) dst(%arg11 : memref<128xi32, #tpu.memory_space<vmem>>)
    %get3A = arith.constant 0 : index
    %get3A_46 = tpu.vector_load %arg8[%get3A] {strides = array<i32>} : memref<128xi32, #tpu.memory_space<vmem>>, vector<16xi32>,
    %gather3A = tpu.vector_load_idx %arg7[%get3A_46] : memref<10000xi32, #tpu.memory_space<vmem>>[vector<16xi32>], vector<16xi32>,
    %get3A_47 = arith.constant 0 : index
    %get3A_48 = tpu.vector_load %arg11[%get3A_47] {strides = array<i32>} : memref<128xi32, #tpu.memory_space<vmem>>, vector<16xi32>,
    %gather3A_49 = tpu.vector_load_idx %arg7[%get3A_48] : memref<10000xi32, #tpu.memory_space<vmem>>[vector<16xi32>], vector<16xi32>,
    %mul3A_50 = arith.muli %gather3A, %gather3A_49 : vector<16xi32>
    %sub3A = arith.subi %gather3A, %gather3A_49 : vector<16xi32>
    %abs3A = math.absi %sub3A : vector<16xi32>
    %add3A_51 = arith.addi %mul3A_50, %abs3A : vector<16xi32>
    %swap3A = arith.constant 0 : index
    %swap3A_52 = tpu.vector_load %arg14[%swap3A] {strides = array<i32>} : memref<128xi32, #tpu.memory_space<vmem>>, vector<16xi32>,
    tpu.vector_store %arg14[%swap3A], %add3A_51 {strides = array<i32>} : memref<128xi32, #tpu.memory_space<vmem>>, vector<16xi32>,
    %get3A_53 = arith.constant 16 : index
    %get3A_54 = tpu.vector_load %arg8[%get3A_53] {strides = array<i32>} : memref<128xi32, #tpu.memory_space<vmem>>, vector<16xi32>,
    %gather3A_55 = tpu.vector_load_idx %arg7[%get3A_54] : memref<10000xi32, #tpu.memory_space<vmem>>[vector<16xi32>], vector<16xi32>,
    %get3A_56 = arith.constant 16 : index
    %get3A_57 = tpu.vector_load %arg11[%get3A_56] {strides = array<i32>} : memref<128xi32, #tpu.memory_space<vmem>>, vector<16xi32>,
    %gather3A_58 = tpu.vector_load_idx %arg7[%get3A_57] : memref<10000xi32, #tpu.memory_space<vmem>>[vector<16xi32>], vector<16xi32>,
    %mul3A_59 = arith.muli %gather3A_55, %gather3A_58 : vector<16xi32>
    %sub3A_60 = arith.subi %gather3A_55, %gather3A_58 : vector<16xi32>
    %abs3A_61 = math.absi %sub3A_60 : vector<16xi32>
    %add3A_62 = arith.addi %mul3A_59, %abs3A_61 : vector<16xi32>
    %swap3A_63 = arith.constant 16 : index
    %swap3A_64 = tpu.vector_load %arg14[%swap3A_63] {strides = array<i32>} : memref<128xi32, #tpu.memory_space<vmem>>, vector<16xi32>,
    tpu.vector_store %arg14[%swap3A_63], %add3A_62 {strides = array<i32>} : memref<128xi32, #tpu.memory_space<vmem>>, vector<16xi32>,
    %get3A_65 = arith.constant 32 : index
    %get3A_66 = tpu.vector_load %arg8[%get3A_65] {strides = array<i32>} : memref<128xi32, #tpu.memory_space<vmem>>, vector<16xi32>,
    %gather3A_67 = tpu.vector_load_idx %arg7[%get3A_66] : memref<10000xi32, #tpu.memory_space<vmem>>[vector<16xi32>], vector<16xi32>,
    %get3A_68 = arith.constant 32 : index
    %get3A_69 = tpu.vector_load %arg11[%get3A_68] {strides = array<i32>} : memref<128xi32, #tpu.memory_space<vmem>>, vector<16xi32>,
    %gather3A_70 = tpu.vector_load_idx %arg7[%get3A_69] : memref<10000xi32, #tpu.memory_space<vmem>>[vector<16xi32>], vector<16xi32>,
    %mul3A_71 = arith.muli %gather3A_67, %gather3A_70 : vector<16xi32>
    %sub3A_72 = arith.subi %gather3A_67, %gather3A_70 : vector<16xi32>
    %abs3A_73 = math.absi %sub3A_72 : vector<16xi32>
    %add3A_74 = arith.addi %mul3A_71, %abs3A_73 : vector<16xi32>
    %swap3A_75 = arith.constant 32 : index
    %swap3A_76 = tpu.vector_load %arg14[%swap3A_75] {strides = array<i32>} : memref<128xi32, #tpu.memory_space<vmem>>, vector<16xi32>,
    tpu.vector_store %arg14[%swap3A_75], %add3A_74 {strides = array<i32>} : memref<128xi32, #tpu.memory_space<vmem>>, vector<16xi32>,
    %get3A_77 = arith.constant 48 : index
    %get3A_78 = tpu.vector_load %arg8[%get3A_77] {strides = array<i32>} : memref<128xi32, #tpu.memory_space<vmem>>, vector<16xi32>,
    %gather3A_79 = tpu.vector_load_idx %arg7[%get3A_78] : memref<10000xi32, #tpu.memory_space<vmem>>[vector<16xi32>], vector<16xi32>,
    %get3A_80 = arith.constant 48 : index
    %get3A_81 = tpu.vector_load %arg11[%get3A_80] {strides = array<i32>} : memref<128xi32, #tpu.memory_space<vmem>>, vector<16xi32>,
    %gather3A_82 = tpu.vector_load_idx %arg7[%get3A_81] : memref<10000xi32, #tpu.memory_space<vmem>>[vector<16xi32>], vector<16xi32>,
    %mul3A_83 = arith.muli %gather3A_79, %gather3A_82 : vector<16xi32>
    %sub3A_84 = arith.subi %gather3A_79, %gather3A_82 : vector<16xi32>
    %abs3A_85 = math.absi %sub3A_84 : vector<16xi32>
    %add3A_86 = arith.addi %mul3A_83, %abs3A_85 : vector<16xi32>
    %swap3A_87 = arith.constant 48 : index
    %swap3A_88 = tpu.vector_load %arg14[%swap3A_87] {strides = array<i32>} : memref<128xi32, #tpu.memory_space<vmem>>, vector<16xi32>,
    tpu.vector_store %arg14[%swap3A_87], %add3A_86 {strides = array<i32>} : memref<128xi32, #tpu.memory_space<vmem>>, vector<16xi32>,
    %get3A_89 = arith.constant 64 : index
    %get3A_90 = tpu.vector_load %arg8[%get3A_89] {strides = array<i32>} : memref<128xi32, #tpu.memory_space<vmem>>, vector<16xi32>,
    %gather3A_91 = tpu.vector_load_idx %arg7[%get3A_90] : memref<10000xi32, #tpu.memory_space<vmem>>[vector<16xi32>], vector<16xi32>,
    %get3A_92 = arith.constant 64 : index
    %get3A_93 = tpu.vector_load %arg11[%get3A_92] {strides = array<i32>} : memref<128xi32, #tpu.memory_space<vmem>>, vector<16xi32>,
    %gather3A_94 = tpu.vector_load_idx %arg7[%get3A_93] : memref<10000xi32, #tpu.memory_space<vmem>>[vector<16xi32>], vector<16xi32>,
    %mul3A_95 = arith.muli %gather3A_91, %gather3A_94 : vector<16xi32>
    %sub3A_96 = arith.subi %gather3A_91, %gather3A_94 : vector<16xi32>
    %abs3A_97 = math.absi %sub3A_96 : vector<16xi32>
    %add3A_98 = arith.addi %mul3A_95, %abs3A_97 : vector<16xi32>
    %swap3A_99 = arith.constant 64 : index
    %swap3A_100 = tpu.vector_load %arg14[%swap3A_99] {strides = array<i32>} : memref<128xi32, #tpu.memory_space<vmem>>, vector<16xi32>,
    tpu.vector_store %arg14[%swap3A_99], %add3A_98 {strides = array<i32>} : memref<128xi32, #tpu.memory_space<vmem>>, vector<16xi32>,
    %get3A_101 = arith.constant 80 : index
    %get3A_102 = tpu.vector_load %arg8[%get3A_101] {strides = array<i32>} : memref<128xi32, #tpu.memory_space<vmem>>, vector<16xi32>,
    %gather3A_103 = tpu.vector_load_idx %arg7[%get3A_102] : memref<10000xi32, #tpu.memory_space<vmem>>[vector<16xi32>], vector<16xi32>,
    %get3A_104 = arith.constant 80 : index
    %get3A_105 = tpu.vector_load %arg11[%get3A_104] {strides = array<i32>} : memref<128xi32, #tpu.memory_space<vmem>>, vector<16xi32>,
    %gather3A_106 = tpu.vector_load_idx %arg7[%get3A_105] : memref<10000xi32, #tpu.memory_space<vmem>>[vector<16xi32>], vector<16xi32>,
    %mul3A_107 = arith.muli %gather3A_103, %gather3A_106 : vector<16xi32>
    %sub3A_108 = arith.subi %gather3A_103, %gather3A_106 : vector<16xi32>
    %abs3A_109 = math.absi %sub3A_108 : vector<16xi32>
    %add3A_110 = arith.addi %mul3A_107, %abs3A_109 : vector<16xi32>
    %swap3A_111 = arith.constant 80 : index
    %swap3A_112 = tpu.vector_load %arg14[%swap3A_111] {strides = array<i32>} : memref<128xi32, #tpu.memory_space<vmem>>, vector<16xi32>,
    tpu.vector_store %arg14[%swap3A_111], %add3A_110 {strides = array<i32>} : memref<128xi32, #tpu.memory_space<vmem>>, vector<16xi32>,
    %get3A_113 = arith.constant 96 : index
    %get3A_114 = tpu.vector_load %arg8[%get3A_113] {strides = array<i32>} : memref<128xi32, #tpu.memory_space<vmem>>, vector<16xi32>,
    %gather3A_115 = tpu.vector_load_idx %arg7[%get3A_114] : memref<10000xi32, #tpu.memory_space<vmem>>[vector<16xi32>], vector<16xi32>,
    %get3A_116 = arith.constant 96 : index
    %get3A_117 = tpu.vector_load %arg11[%get3A_116] {strides = array<i32>} : memref<128xi32, #tpu.memory_space<vmem>>, vector<16xi32>,
    %gather3A_118 = tpu.vector_load_idx %arg7[%get3A_117] : memref<10000xi32, #tpu.memory_space<vmem>>[vector<16xi32>], vector<16xi32>,
    %mul3A_119 = arith.muli %gather3A_115, %gather3A_118 : vector<16xi32>
    %sub3A_120 = arith.subi %gather3A_115, %gather3A_118 : vector<16xi32>
    %abs3A_121 = math.absi %sub3A_120 : vector<16xi32>
    %add3A_122 = arith.addi %mul3A_119, %abs3A_121 : vector<16xi32>
    %swap3A_123 = arith.constant 96 : index
    %swap3A_124 = tpu.vector_load %arg14[%swap3A_123] {strides = array<i32>} : memref<128xi32, #tpu.memory_space<vmem>>, vector<16xi32>,
    tpu.vector_store %arg14[%swap3A_123], %add3A_122 {strides = array<i32>} : memref<128xi32, #tpu.memory_space<vmem>>, vector<16xi32>,
    %get3A_125 = arith.constant 112 : index
    %get3A_126 = tpu.vector_load %arg8[%get3A_125] {strides = array<i32>} : memref<128xi32, #tpu.memory_space<vmem>>, vector<16xi32>,
    %gather3A_127 = tpu.vector_load_idx %arg7[%get3A_126] : memref<10000xi32, #tpu.memory_space<vmem>>[vector<16xi32>], vector<16xi32>,
    %get3A_128 = arith.constant 112 : index
    %get3A_129 = tpu.vector_load %arg11[%get3A_128] {strides = array<i32>} : memref<128xi32, #tpu.memory_space<vmem>>, vector<16xi32>,
    %gather3A_130 = tpu.vector_load_idx %arg7[%get3A_129] : memref<10000xi32, #tpu.memory_space<vmem>>[vector<16xi32>], vector<16xi32>,
    %mul3A_131 = arith.muli %gather3A_127, %gather3A_130 : vector<16xi32>
    %sub3A_132 = arith.subi %gather3A_127, %gather3A_130 : vector<16xi32>
    %abs3A_133 = math.absi %sub3A_132 : vector<16xi32>
    %add3A_134 = arith.addi %mul3A_131, %abs3A_133 : vector<16xi32>
    %swap3A_135 = arith.constant 112 : index
    %swap3A_136 = tpu.vector_load %arg14[%swap3A_135] {strides = array<i32>} : memref<128xi32, #tpu.memory_space<vmem>>, vector<16xi32>,
    tpu.vector_store %arg14[%swap3A_135], %add3A_134 {strides = array<i32>} : memref<128xi32, #tpu.memory_space<vmem>>, vector<16xi32>,
    %dma_start3A_137 = arith.constant 0 : i32
    %dma_start3A_138 = arith.constant 0 : i32
    %dma_start3A_139 = tpu.memref_slice %arg5[%dma_start3A_137, %dma_start3A_138] : memref<3000x64xf32, #tpu.memory_space<hbm>> -> memref<3000x64xf32, #tpu.memory_space<hbm>>
    tpu.enqueue_indirect_dma source(%dma_start3A_139 : memref<3000x64xf32, #tpu.memory_space<hbm>>) target(%arg17 : memref<128x64xf32, #tpu.memory_space<vmem>>) offsets(%arg14 : memref<128xi32, #tpu.memory_space<vmem>>) semaphore(%arg23 : memref<!tpu.dma_semaphore, #tpu.memory_space<semaphore_mem>>)
    %dma_wait3A_140 = arith.constant 0 : i32
    %dma_wait3A_141 = tpu.memref_slice %arg3[%dma_wait3A_140] : memref<320000xi32, #tpu.memory_space<hbm>> -> memref<128xi32, #tpu.memory_space<hbm>>
    %dma_wait3A_142 = arith.constant 0 : i32
    %dma_wait3A_143 = tpu.memref_slice %arg3[%dma_wait3A_142] : memref<320000xi32, #tpu.memory_space<hbm>> -> memref<128xi32, #tpu.memory_space<hbm>>
    tpu.wait_dma2 semaphore(%arg21 : memref<!tpu.dma_semaphore, #tpu.memory_space<semaphore_mem>>) src(%dma_wait3A_143 : memref<128xi32, #tpu.memory_space<hbm>>) dst(%arg9 : memref<128xi32, #tpu.memory_space<vmem>>)
    %dma_wait3A_144 = arith.constant 0 : i32
    %dma_wait3A_145 = tpu.memref_slice %arg4[%dma_wait3A_144] : memref<320000xi32, #tpu.memory_space<hbm>> -> memref<128xi32, #tpu.memory_space<hbm>>
    %dma_wait3A_146 = arith.constant 0 : i32
    %dma_wait3A_147 = tpu.memref_slice %arg4[%dma_wait3A_146] : memref<320000xi32, #tpu.memory_space<hbm>> -> memref<128xi32, #tpu.memory_space<hbm>>
    tpu.wait_dma2 semaphore(%arg21 : memref<!tpu.dma_semaphore, #tpu.memory_space<semaphore_mem>>) src(%dma_wait3A_147 : memref<128xi32, #tpu.memory_space<hbm>>) dst(%arg12 : memref<128xi32, #tpu.memory_space<vmem>>)
    %get3A_148 = arith.constant 0 : index
    %get3A_149 = tpu.vector_load %arg9[%get3A_148] {strides = array<i32>} : memref<128xi32, #tpu.memory_space<vmem>>, vector<16xi32>,
    %gather3A_150 = tpu.vector_load_idx %arg7[%get3A_149] : memref<10000xi32, #tpu.memory_space<vmem>>[vector<16xi32>], vector<16xi32>,
    %get3A_151 = arith.constant 0 : index
    %get3A_152 = tpu.vector_load %arg12[%get3A_151] {strides = array<i32>} : memref<128xi32, #tpu.memory_space<vmem>>, vector<16xi32>,
    %gather3A_153 = tpu.vector_load_idx %arg7[%get3A_152] : memref<10000xi32, #tpu.memory_space<vmem>>[vector<16xi32>], vector<16xi32>,
    %mul3A_154 = arith.muli %gather3A_150, %gather3A_153 : vector<16xi32>
    %sub3A_155 = arith.subi %gather3A_150, %gather3A_153 : vector<16xi32>
    %abs3A_156 = math.absi %sub3A_155 : vector<16xi32>
    %add3A_157 = arith.addi %mul3A_154, %abs3A_156 : vector<16xi32>
    %swap3A_158 = arith.constant 0 : index
    %swap3A_159 = tpu.vector_load %arg15[%swap3A_158] {strides = array<i32>} : memref<128xi32, #tpu.memory_space<vmem>>, vector<16xi32>,
    tpu.vector_store %arg15[%swap3A_158], %add3A_157 {strides = array<i32>} : memref<128xi32, #tpu.memory_space<vmem>>, vector<16xi32>,
    %get3A_160 = arith.constant 16 : index
    %get3A_161 = tpu.vector_load %arg9[%get3A_160] {strides = array<i32>} : memref<128xi32, #tpu.memory_space<vmem>>, vector<16xi32>,
    %gather3A_162 = tpu.vector_load_idx %arg7[%get3A_161] : memref<10000xi32, #tpu.memory_space<vmem>>[vector<16xi32>], vector<16xi32>,
    %get3A_163 = arith.constant 16 : index
    %get3A_164 = tpu.vector_load %arg12[%get3A_163] {strides = array<i32>} : memref<128xi32, #tpu.memory_space<vmem>>, vector<16xi32>,
    %gather3A_165 = tpu.vector_load_idx %arg7[%get3A_164] : memref<10000xi32, #tpu.memory_space<vmem>>[vector<16xi32>], vector<16xi32>,
    %mul3A_166 = arith.muli %gather3A_162, %gather3A_165 : vector<16xi32>
    %sub3A_167 = arith.subi %gather3A_162, %gather3A_165 : vector<16xi32>
    %abs3A_168 = math.absi %sub3A_167 : vector<16xi32>
    %add3A_169 = arith.addi %mul3A_166, %abs3A_168 : vector<16xi32>
    %swap3A_170 = arith.constant 16 : index
    %swap3A_171 = tpu.vector_load %arg15[%swap3A_170] {strides = array<i32>} : memref<128xi32, #tpu.memory_space<vmem>>, vector<16xi32>,
    tpu.vector_store %arg15[%swap3A_170], %add3A_169 {strides = array<i32>} : memref<128xi32, #tpu.memory_space<vmem>>, vector<16xi32>,
    %get3A_172 = arith.constant 32 : index
    %get3A_173 = tpu.vector_load %arg9[%get3A_172] {strides = array<i32>} : memref<128xi32, #tpu.memory_space<vmem>>, vector<16xi32>,
    %gather3A_174 = tpu.vector_load_idx %arg7[%get3A_173] : memref<10000xi32, #tpu.memory_space<vmem>>[vector<16xi32>], vector<16xi32>,
    %get3A_175 = arith.constant 32 : index
    %get3A_176 = tpu.vector_load %arg12[%get3A_175] {strides = array<i32>} : memref<128xi32, #tpu.memory_space<vmem>>, vector<16xi32>,
    %gather3A_177 = tpu.vector_load_idx %arg7[%get3A_176] : memref<10000xi32, #tpu.memory_space<vmem>>[vector<16xi32>], vector<16xi32>,
    %mul3A_178 = arith.muli %gather3A_174, %gather3A_177 : vector<16xi32>
    %sub3A_179 = arith.subi %gather3A_174, %gather3A_177 : vector<16xi32>
    %abs3A_180 = math.absi %sub3A_179 : vector<16xi32>
    %add3A_181 = arith.addi %mul3A_178, %abs3A_180 : vector<16xi32>
    %swap3A_182 = arith.constant 32 : index
    %swap3A_183 = tpu.vector_load %arg15[%swap3A_182] {strides = array<i32>} : memref<128xi32, #tpu.memory_space<vmem>>, vector<16xi32>,
    tpu.vector_store %arg15[%swap3A_182], %add3A_181 {strides = array<i32>} : memref<128xi32, #tpu.memory_space<vmem>>, vector<16xi32>,
    %get3A_184 = arith.constant 48 : index
    %get3A_185 = tpu.vector_load %arg9[%get3A_184] {strides = array<i32>} : memref<128xi32, #tpu.memory_space<vmem>>, vector<16xi32>,
    %gather3A_186 = tpu.vector_load_idx %arg7[%get3A_185] : memref<10000xi32, #tpu.memory_space<vmem>>[vector<16xi32>], vector<16xi32>,
    %get3A_187 = arith.constant 48 : index
    %get3A_188 = tpu.vector_load %arg12[%get3A_187] {strides = array<i32>} : memref<128xi32, #tpu.memory_space<vmem>>, vector<16xi32>,
    %gather3A_189 = tpu.vector_load_idx %arg7[%get3A_188] : memref<10000xi32, #tpu.memory_space<vmem>>[vector<16xi32>], vector<16xi32>,
    %mul3A_190 = arith.muli %gather3A_186, %gather3A_189 : vector<16xi32>
    %sub3A_191 = arith.subi %gather3A_186, %gather3A_189 : vector<16xi32>
    %abs3A_192 = math.absi %sub3A_191 : vector<16xi32>
    %add3A_193 = arith.addi %mul3A_190, %abs3A_192 : vector<16xi32>
    %swap3A_194 = arith.constant 48 : index
    %swap3A_195 = tpu.vector_load %arg15[%swap3A_194] {strides = array<i32>} : memref<128xi32, #tpu.memory_space<vmem>>, vector<16xi32>,
    tpu.vector_store %arg15[%swap3A_194], %add3A_193 {strides = array<i32>} : memref<128xi32, #tpu.memory_space<vmem>>, vector<16xi32>,
    %get3A_196 = arith.constant 64 : index
    %get3A_197 = tpu.vector_load %arg9[%get3A_196] {strides = array<i32>} : memref<128xi32, #tpu.memory_space<vmem>>, vector<16xi32>,
    %gather3A_198 = tpu.vector_load_idx %arg7[%get3A_197] : memref<10000xi32, #tpu.memory_space<vmem>>[vector<16xi32>], vector<16xi32>,
    %get3A_199 = arith.constant 64 : index
    %get3A_200 = tpu.vector_load %arg12[%get3A_199] {strides = array<i32>} : memref<128xi32, #tpu.memory_space<vmem>>, vector<16xi32>,
    %gather3A_201 = tpu.vector_load_idx %arg7[%get3A_200] : memref<10000xi32, #tpu.memory_space<vmem>>[vector<16xi32>], vector<16xi32>,
    %mul3A_202 = arith.muli %gather3A_198, %gather3A_201 : vector<16xi32>
    %sub3A_203 = arith.subi %gather3A_198, %gather3A_201 : vector<16xi32>
    %abs3A_204 = math.absi %sub3A_203 : vector<16xi32>
    %add3A_205 = arith.addi %mul3A_202, %abs3A_204 : vector<16xi32>
    %swap3A_206 = arith.constant 64 : index
    %swap3A_207 = tpu.vector_load %arg15[%swap3A_206] {strides = array<i32>} : memref<128xi32, #tpu.memory_space<vmem>>, vector<16xi32>,
    tpu.vector_store %arg15[%swap3A_206], %add3A_205 {strides = array<i32>} : memref<128xi32, #tpu.memory_space<vmem>>, vector<16xi32>,
    %get3A_208 = arith.constant 80 : index
    %get3A_209 = tpu.vector_load %arg9[%get3A_208] {strides = array<i32>} : memref<128xi32, #tpu.memory_space<vmem>>, vector<16xi32>,
    %gather3A_210 = tpu.vector_load_idx %arg7[%get3A_209] : memref<10000xi32, #tpu.memory_space<vmem>>[vector<16xi32>], vector<16xi32>,
    %get3A_211 = arith.constant 80 : index
    %get3A_212 = tpu.vector_load %arg12[%get3A_211] {strides = array<i32>} : memref<128xi32, #tpu.memory_space<vmem>>, vector<16xi32>,
    %gather3A_213 = tpu.vector_load_idx %arg7[%get3A_212] : memref<10000xi32, #tpu.memory_space<vmem>>[vector<16xi32>], vector<16xi32>,
    %mul3A_214 = arith.muli %gather3A_210, %gather3A_213 : vector<16xi32>
    %sub3A_215 = arith.subi %gather3A_210, %gather3A_213 : vector<16xi32>
    %abs3A_216 = math.absi %sub3A_215 : vector<16xi32>
    %add3A_217 = arith.addi %mul3A_214, %abs3A_216 : vector<16xi32>
    %swap3A_218 = arith.constant 80 : index
    %swap3A_219 = tpu.vector_load %arg15[%swap3A_218] {strides = array<i32>} : memref<128xi32, #tpu.memory_space<vmem>>, vector<16xi32>,
    tpu.vector_store %arg15[%swap3A_218], %add3A_217 {strides = array<i32>} : memref<128xi32, #tpu.memory_space<vmem>>, vector<16xi32>,
    %get3A_220 = arith.constant 96 : index
    %get3A_221 = tpu.vector_load %arg9[%get3A_220] {strides = array<i32>} : memref<128xi32, #tpu.memory_space<vmem>>, vector<16xi32>,
    %gather3A_222 = tpu.vector_load_idx %arg7[%get3A_221] : memref<10000xi32, #tpu.memory_space<vmem>>[vector<16xi32>], vector<16xi32>,
    %get3A_223 = arith.constant 96 : index
    %get3A_224 = tpu.vector_load %arg12[%get3A_223] {strides = array<i32>} : memref<128xi32, #tpu.memory_space<vmem>>, vector<16xi32>,
    %gather3A_225 = tpu.vector_load_idx %arg7[%get3A_224] : memref<10000xi32, #tpu.memory_space<vmem>>[vector<16xi32>], vector<16xi32>,
    %mul3A_226 = arith.muli %gather3A_222, %gather3A_225 : vector<16xi32>
    %sub3A_227 = arith.subi %gather3A_222, %gather3A_225 : vector<16xi32>
    %abs3A_228 = math.absi %sub3A_227 : vector<16xi32>
    %add3A_229 = arith.addi %mul3A_226, %abs3A_228 : vector<16xi32>
    %swap3A_230 = arith.constant 96 : index
    %swap3A_231 = tpu.vector_load %arg15[%swap3A_230] {strides = array<i32>} : memref<128xi32, #tpu.memory_space<vmem>>, vector<16xi32>,
    tpu.vector_store %arg15[%swap3A_230], %add3A_229 {strides = array<i32>} : memref<128xi32, #tpu.memory_space<vmem>>, vector<16xi32>,
    %get3A_232 = arith.constant 112 : index
    %get3A_233 = tpu.vector_load %arg9[%get3A_232] {strides = array<i32>} : memref<128xi32, #tpu.memory_space<vmem>>, vector<16xi32>,
    %gather3A_234 = tpu.vector_load_idx %arg7[%get3A_233] : memref<10000xi32, #tpu.memory_space<vmem>>[vector<16xi32>], vector<16xi32>,
    %get3A_235 = arith.constant 112 : index
    %get3A_236 = tpu.vector_load %arg12[%get3A_235] {strides = array<i32>} : memref<128xi32, #tpu.memory_space<vmem>>, vector<16xi32>,
    %gather3A_237 = tpu.vector_load_idx %arg7[%get3A_236] : memref<10000xi32, #tpu.memory_space<vmem>>[vector<16xi32>], vector<16xi32>,
    %mul3A_238 = arith.muli %gather3A_234, %gather3A_237 : vector<16xi32>
    %sub3A_239 = arith.subi %gather3A_234, %gather3A_237 : vector<16xi32>
    %abs3A_240 = math.absi %sub3A_239 : vector<16xi32>
    %add3A_241 = arith.addi %mul3A_238, %abs3A_240 : vector<16xi32>
    %swap3A_242 = arith.constant 112 : index
    %swap3A_243 = tpu.vector_load %arg15[%swap3A_242] {strides = array<i32>} : memref<128xi32, #tpu.memory_space<vmem>>, vector<16xi32>,
    tpu.vector_store %arg15[%swap3A_242], %add3A_241 {strides = array<i32>} : memref<128xi32, #tpu.memory_space<vmem>>, vector<16xi32>,
    %dma_start3A_244 = arith.constant 0 : i32
    %dma_start3A_245 = arith.constant 0 : i32
    %dma_start3A_246 = tpu.memref_slice %arg5[%dma_start3A_244, %dma_start3A_245] : memref<3000x64xf32, #tpu.memory_space<hbm>> -> memref<3000x64xf32, #tpu.memory_space<hbm>>
    tpu.enqueue_indirect_dma source(%dma_start3A_246 : memref<3000x64xf32, #tpu.memory_space<hbm>>) target(%arg18 : memref<128x64xf32, #tpu.memory_space<vmem>>) offsets(%arg15 : memref<128xi32, #tpu.memory_space<vmem>>) semaphore(%arg24 : memref<!tpu.dma_semaphore, #tpu.memory_space<semaphore_mem>>)
    %scan3A = arith.constant 0 : i32
    %scan3A_247 = arith.constant 0 : i32
    %scan3A_248 = arith.constant 26 : i32
    %scan3A_249 = arith.addi %scan3A_247, %scan3A_248 : i32
    %scan3A_250 = arith.constant 1 : i32
    scf.for %scan3A_282 = %scan3A_247 to %scan3A_249 step %scan3A_250  : i32 {
      %mul3A_283 = arith.constant 3 : i32
      %mul3A_284 = arith.muli %mul3A_283, %scan3A_282 : i32
      %add3A_285 = arith.constant 2 : i32
      %add3A_286 = arith.addi %add3A_285, %mul3A_284 : i32
      %dma_wait3A_287 = arith.constant 0 : i32
      %dma_wait3A_288 = tpu.memref_slice %arg3[%dma_wait3A_287] : memref<320000xi32, #tpu.memory_space<hbm>> -> memref<128xi32, #tpu.memory_space<hbm>>
      %dma_wait3A_289 = arith.constant 0 : i32
      %dma_wait3A_290 = tpu.memref_slice %arg3[%dma_wait3A_289] : memref<320000xi32, #tpu.memory_space<hbm>> -> memref<128xi32, #tpu.memory_space<hbm>>
      tpu.wait_dma2 semaphore(%arg22 : memref<!tpu.dma_semaphore, #tpu.memory_space<semaphore_mem>>) src(%dma_wait3A_290 : memref<128xi32, #tpu.memory_space<hbm>>) dst(%arg10 : memref<128xi32, #tpu.memory_space<vmem>>)
      %dma_wait3A_291 = arith.constant 0 : i32
      %dma_wait3A_292 = tpu.memref_slice %arg4[%dma_wait3A_291] : memref<320000xi32, #tpu.memory_space<hbm>> -> memref<128xi32, #tpu.memory_space<hbm>>
      %dma_wait3A_293 = arith.constant 0 : i32
      %dma_wait3A_294 = tpu.memref_slice %arg4[%dma_wait3A_293] : memref<320000xi32, #tpu.memory_space<hbm>> -> memref<128xi32, #tpu.memory_space<hbm>>
      tpu.wait_dma2 semaphore(%arg22 : memref<!tpu.dma_semaphore, #tpu.memory_space<semaphore_mem>>) src(%dma_wait3A_294 : memref<128xi32, #tpu.memory_space<hbm>>) dst(%arg13 : memref<128xi32, #tpu.memory_space<vmem>>)
      %get3A_295 = arith.constant 0 : index
      %get3A_296 = tpu.vector_load %arg10[%get3A_295] {strides = array<i32>} : memref<128xi32, #tpu.memory_space<vmem>>, vector<16xi32>,
      %gather3A_297 = tpu.vector_load_idx %arg7[%get3A_296] : memref<10000xi32, #tpu.memory_space<vmem>>[vector<16xi32>], vector<16xi32>,
      %get3A_298 = arith.constant 0 : index
      %get3A_299 = tpu.vector_load %arg13[%get3A_298] {strides = array<i32>} : memref<128xi32, #tpu.memory_space<vmem>>, vector<16xi32>,
      %gather3A_300 = tpu.vector_load_idx %arg7[%get3A_299] : memref<10000xi32, #tpu.memory_space<vmem>>[vector<16xi32>], vector<16xi32>,
      %mul3A_301 = arith.muli %gather3A_297, %gather3A_300 : vector<16xi32>
      %sub3A_302 = arith.subi %gather3A_297, %gather3A_300 : vector<16xi32>
      %abs3A_303 = math.absi %sub3A_302 : vector<16xi32>
      %add3A_304 = arith.addi %mul3A_301, %abs3A_303 : vector<16xi32>
      %swap3A_305 = arith.constant 0 : index
      %swap3A_306 = tpu.vector_load %arg16[%swap3A_305] {strides = array<i32>} : memref<128xi32, #tpu.memory_space<vmem>>, vector<16xi32>,
      tpu.vector_store %arg16[%swap3A_305], %add3A_304 {strides = array<i32>} : memref<128xi32, #tpu.memory_space<vmem>>, vector<16xi32>,
      %get3A_307 = arith.constant 16 : index
      %get3A_308 = tpu.vector_load %arg10[%get3A_307] {strides = array<i32>} : memref<128xi32, #tpu.memory_space<vmem>>, vector<16xi32>,
      %gather3A_309 = tpu.vector_load_idx %arg7[%get3A_308] : memref<10000xi32, #tpu.memory_space<vmem>>[vector<16xi32>], vector<16xi32>,
      %get3A_310 = arith.constant 16 : index
      %get3A_311 = tpu.vector_load %arg13[%get3A_310] {strides = array<i32>} : memref<128xi32, #tpu.memory_space<vmem>>, vector<16xi32>,
      %gather3A_312 = tpu.vector_load_idx %arg7[%get3A_311] : memref<10000xi32, #tpu.memory_space<vmem>>[vector<16xi32>], vector<16xi32>,
      %mul3A_313 = arith.muli %gather3A_309, %gather3A_312 : vector<16xi32>
      %sub3A_314 = arith.subi %gather3A_309, %gather3A_312 : vector<16xi32>
      %abs3A_315 = math.absi %sub3A_314 : vector<16xi32>
      %add3A_316 = arith.addi %mul3A_313, %abs3A_315 : vector<16xi32>
      %swap3A_317 = arith.constant 16 : index
      %swap3A_318 = tpu.vector_load %arg16[%swap3A_317] {strides = array<i32>} : memref<128xi32, #tpu.memory_space<vmem>>, vector<16xi32>,
      tpu.vector_store %arg16[%swap3A_317], %add3A_316 {strides = array<i32>} : memref<128xi32, #tpu.memory_space<vmem>>, vector<16xi32>,
      %get3A_319 = arith.constant 32 : index
      %get3A_320 = tpu.vector_load %arg10[%get3A_319] {strides = array<i32>} : memref<128xi32, #tpu.memory_space<vmem>>, vector<16xi32>,
      %gather3A_321 = tpu.vector_load_idx %arg7[%get3A_320] : memref<10000xi32, #tpu.memory_space<vmem>>[vector<16xi32>], vector<16xi32>,
      %get3A_322 = arith.constant 32 : index
      %get3A_323 = tpu.vector_load %arg13[%get3A_322] {strides = array<i32>} : memref<128xi32, #tpu.memory_space<vmem>>, vector<16xi32>,
      %gather3A_324 = tpu.vector_load_idx %arg7[%get3A_323] : memref<10000xi32, #tpu.memory_space<vmem>>[vector<16xi32>], vector<16xi32>,
      %mul3A_325 = arith.muli %gather3A_321, %gather3A_324 : vector<16xi32>
      %sub3A_326 = arith.subi %gather3A_321, %gather3A_324 : vector<16xi32>
      %abs3A_327 = math.absi %sub3A_326 : vector<16xi32>
      %add3A_328 = arith.addi %mul3A_325, %abs3A_327 : vector<16xi32>
      %swap3A_329 = arith.constant 32 : index
      %swap3A_330 = tpu.vector_load %arg16[%swap3A_329] {strides = array<i32>} : memref<128xi32, #tpu.memory_space<vmem>>, vector<16xi32>,
      tpu.vector_store %arg16[%swap3A_329], %add3A_328 {strides = array<i32>} : memref<128xi32, #tpu.memory_space<vmem>>, vector<16xi32>,
      %get3A_331 = arith.constant 48 : index
      %get3A_332 = tpu.vector_load %arg10[%get3A_331] {strides = array<i32>} : memref<128xi32, #tpu.memory_space<vmem>>, vector<16xi32>,
      %gather3A_333 = tpu.vector_load_idx %arg7[%get3A_332] : memref<10000xi32, #tpu.memory_space<vmem>>[vector<16xi32>], vector<16xi32>,
      %get3A_334 = arith.constant 48 : index
      %get3A_335 = tpu.vector_load %arg13[%get3A_334] {strides = array<i32>} : memref<128xi32, #tpu.memory_space<vmem>>, vector<16xi32>,
      %gather3A_336 = tpu.vector_load_idx %arg7[%get3A_335] : memref<10000xi32, #tpu.memory_space<vmem>>[vector<16xi32>], vector<16xi32>,
      %mul3A_337 = arith.muli %gather3A_333, %gather3A_336 : vector<16xi32>
      %sub3A_338 = arith.subi %gather3A_333, %gather3A_336 : vector<16xi32>
      %abs3A_339 = math.absi %sub3A_338 : vector<16xi32>
      %add3A_340 = arith.addi %mul3A_337, %abs3A_339 : vector<16xi32>
      %swap3A_341 = arith.constant 48 : index
      %swap3A_342 = tpu.vector_load %arg16[%swap3A_341] {strides = array<i32>} : memref<128xi32, #tpu.memory_space<vmem>>, vector<16xi32>,
      tpu.vector_store %arg16[%swap3A_341], %add3A_340 {strides = array<i32>} : memref<128xi32, #tpu.memory_space<vmem>>, vector<16xi32>,
      %get3A_343 = arith.constant 64 : index
      %get3A_344 = tpu.vector_load %arg10[%get3A_343] {strides = array<i32>} : memref<128xi32, #tpu.memory_space<vmem>>, vector<16xi32>,
      %gather3A_345 = tpu.vector_load_idx %arg7[%get3A_344] : memref<10000xi32, #tpu.memory_space<vmem>>[vector<16xi32>], vector<16xi32>,
      %get3A_346 = arith.constant 64 : index
      %get3A_347 = tpu.vector_load %arg13[%get3A_346] {strides = array<i32>} : memref<128xi32, #tpu.memory_space<vmem>>, vector<16xi32>,
      %gather3A_348 = tpu.vector_load_idx %arg7[%get3A_347] : memref<10000xi32, #tpu.memory_space<vmem>>[vector<16xi32>], vector<16xi32>,
      %mul3A_349 = arith.muli %gather3A_345, %gather3A_348 : vector<16xi32>
      %sub3A_350 = arith.subi %gather3A_345, %gather3A_348 : vector<16xi32>
      %abs3A_351 = math.absi %sub3A_350 : vector<16xi32>
      %add3A_352 = arith.addi %mul3A_349, %abs3A_351 : vector<16xi32>
      %swap3A_353 = arith.constant 64 : index
      %swap3A_354 = tpu.vector_load %arg16[%swap3A_353] {strides = array<i32>} : memref<128xi32, #tpu.memory_space<vmem>>, vector<16xi32>,
      tpu.vector_store %arg16[%swap3A_353], %add3A_352 {strides = array<i32>} : memref<128xi32, #tpu.memory_space<vmem>>, vector<16xi32>,
      %get3A_355 = arith.constant 80 : index
      %get3A_356 = tpu.vector_load %arg10[%get3A_355] {strides = array<i32>} : memref<128xi32, #tpu.memory_space<vmem>>, vector<16xi32>,
      %gather3A_357 = tpu.vector_load_idx %arg7[%get3A_356] : memref<10000xi32, #tpu.memory_space<vmem>>[vector<16xi32>], vector<16xi32>,
      %get3A_358 = arith.constant 80 : index
      %get3A_359 = tpu.vector_load %arg13[%get3A_358] {strides = array<i32>} : memref<128xi32, #tpu.memory_space<vmem>>, vector<16xi32>,
      %gather3A_360 = tpu.vector_load_idx %arg7[%get3A_359] : memref<10000xi32, #tpu.memory_space<vmem>>[vector<16xi32>], vector<16xi32>,
      %mul3A_361 = arith.muli %gather3A_357, %gather3A_360 : vector<16xi32>
      %sub3A_362 = arith.subi %gather3A_357, %gather3A_360 : vector<16xi32>
      %abs3A_363 = math.absi %sub3A_362 : vector<16xi32>
      %add3A_364 = arith.addi %mul3A_361, %abs3A_363 : vector<16xi32>
      %swap3A_365 = arith.constant 80 : index
      %swap3A_366 = tpu.vector_load %arg16[%swap3A_365] {strides = array<i32>} : memref<128xi32, #tpu.memory_space<vmem>>, vector<16xi32>,
      tpu.vector_store %arg16[%swap3A_365], %add3A_364 {strides = array<i32>} : memref<128xi32, #tpu.memory_space<vmem>>, vector<16xi32>,
      %get3A_367 = arith.constant 96 : index
      %get3A_368 = tpu.vector_load %arg10[%get3A_367] {strides = array<i32>} : memref<128xi32, #tpu.memory_space<vmem>>, vector<16xi32>,
      %gather3A_369 = tpu.vector_load_idx %arg7[%get3A_368] : memref<10000xi32, #tpu.memory_space<vmem>>[vector<16xi32>], vector<16xi32>,
      %get3A_370 = arith.constant 96 : index
      %get3A_371 = tpu.vector_load %arg13[%get3A_370] {strides = array<i32>} : memref<128xi32, #tpu.memory_space<vmem>>, vector<16xi32>,
      %gather3A_372 = tpu.vector_load_idx %arg7[%get3A_371] : memref<10000xi32, #tpu.memory_space<vmem>>[vector<16xi32>], vector<16xi32>,
      %mul3A_373 = arith.muli %gather3A_369, %gather3A_372 : vector<16xi32>
      %sub3A_374 = arith.subi %gather3A_369, %gather3A_372 : vector<16xi32>
      %abs3A_375 = math.absi %sub3A_374 : vector<16xi32>
      %add3A_376 = arith.addi %mul3A_373, %abs3A_375 : vector<16xi32>
      %swap3A_377 = arith.constant 96 : index
      %swap3A_378 = tpu.vector_load %arg16[%swap3A_377] {strides = array<i32>} : memref<128xi32, #tpu.memory_space<vmem>>, vector<16xi32>,
      tpu.vector_store %arg16[%swap3A_377], %add3A_376 {strides = array<i32>} : memref<128xi32, #tpu.memory_space<vmem>>, vector<16xi32>,
      %get3A_379 = arith.constant 112 : index
      %get3A_380 = tpu.vector_load %arg10[%get3A_379] {strides = array<i32>} : memref<128xi32, #tpu.memory_space<vmem>>, vector<16xi32>,
      %gather3A_381 = tpu.vector_load_idx %arg7[%get3A_380] : memref<10000xi32, #tpu.memory_space<vmem>>[vector<16xi32>], vector<16xi32>,
      %get3A_382 = arith.constant 112 : index
      %get3A_383 = tpu.vector_load %arg13[%get3A_382] {strides = array<i32>} : memref<128xi32, #tpu.memory_space<vmem>>, vector<16xi32>,
      %gather3A_384 = tpu.vector_load_idx %arg7[%get3A_383] : memref<10000xi32, #tpu.memory_space<vmem>>[vector<16xi32>], vector<16xi32>,
      %mul3A_385 = arith.muli %gather3A_381, %gather3A_384 : vector<16xi32>
      %sub3A_386 = arith.subi %gather3A_381, %gather3A_384 : vector<16xi32>
      %abs3A_387 = math.absi %sub3A_386 : vector<16xi32>
      %add3A_388 = arith.addi %mul3A_385, %abs3A_387 : vector<16xi32>
      %swap3A_389 = arith.constant 112 : index
      %swap3A_390 = tpu.vector_load %arg16[%swap3A_389] {strides = array<i32>} : memref<128xi32, #tpu.memory_space<vmem>>, vector<16xi32>,
      tpu.vector_store %arg16[%swap3A_389], %add3A_388 {strides = array<i32>} : memref<128xi32, #tpu.memory_space<vmem>>, vector<16xi32>,
      %ge3A = arith.constant 1 : i32
      %ge3A_391 = arith.cmpi sge, %scan3A_282, %ge3A : i32
      %convert_element_type3A = arith.extui %ge3A_391 : i1 to i32
      %cond3A = arith.constant 0 : i32
      %cond3A_392 = arith.cmpi ne, %convert_element_type3A, %cond3A : i32
      scf.if %cond3A_392 {
        %dma_wait3A_712 = arith.constant 0 : i32
        %dma_wait3A_713 = arith.constant 0 : i32
        %dma_wait3A_714 = tpu.memref_slice %arg6[%dma_wait3A_712, %dma_wait3A_713] : memref<320000x64xf32, #tpu.memory_space<hbm>> -> memref<128x64xf32, #tpu.memory_space<hbm>>
        %dma_wait3A_715 = arith.constant 0 : i32
        %dma_wait3A_716 = arith.constant 0 : i32
        %dma_wait3A_717 = tpu.memref_slice %arg6[%dma_wait3A_715, %dma_wait3A_716] : memref<320000x64xf32, #tpu.memory_space<hbm>> -> memref<128x64xf32, #tpu.memory_space<hbm>>
        tpu.wait_dma2 semaphore(%arg28 : memref<!tpu.dma_semaphore, #tpu.memory_space<semaphore_mem>>) src(%arg19 : memref<128x64xf32, #tpu.memory_space<vmem>>) dst(%dma_wait3A_717 : memref<128x64xf32, #tpu.memory_space<hbm>>)
      } else {
      }
      %dma_start3A_393 = arith.constant 0 : i32
      %dma_start3A_394 = arith.constant 0 : i32
      %dma_start3A_395 = tpu.memref_slice %arg5[%dma_start3A_393, %dma_start3A_394] : memref<3000x64xf32, #tpu.memory_space<hbm>> -> memref<3000x64xf32, #tpu.memory_space<hbm>>
      tpu.enqueue_indirect_dma source(%dma_start3A_395 : memref<3000x64xf32, #tpu.memory_space<hbm>>) target(%arg19 : memref<128x64xf32, #tpu.memory_space<vmem>>) offsets(%arg16 : memref<128xi32, #tpu.memory_space<vmem>>) semaphore(%arg25 : memref<!tpu.dma_semaphore, #tpu.memory_space<semaphore_mem>>)
      %dma_wait3A_396 = arith.constant 0 : i32
      %dma_wait3A_397 = arith.constant 0 : i32
      %dma_wait3A_398 = tpu.memref_slice %arg5[%dma_wait3A_396, %dma_wait3A_397] : memref<3000x64xf32, #tpu.memory_space<hbm>> -> memref<3000x64xf32, #tpu.memory_space<hbm>>
      tpu.wait_indirect_dma semaphore(%arg23 : memref<!tpu.dma_semaphore, #tpu.memory_space<semaphore_mem>>) src(%dma_wait3A_398 : memref<3000x64xf32, #tpu.memory_space<hbm>>) dst(%arg17 : memref<128x64xf32, #tpu.memory_space<vmem>>)
      %sub3A_399 = arith.constant 2 : i32
      %sub3A_400 = arith.subi %add3A_286, %sub3A_399 : i32
      %lt3A_401 = arith.cmpi slt, %sub3A_400, %add3A_4 : i32
      %mul3A_402 = arith.constant 32 : i32
      %mul3A_403 = arith.muli %mul3A_402, %sub3A_400 : i32
      %add3A_404 = arith.addi %add3A, %mul3A_403 : i32
      %jit3A_405 = arith.constant 0 : i32
      %select_n3A_406 = arith.select %lt3A_401, %add3A_404, %jit3A_405 : i32
      %mul3A_407 = arith.constant 128 : i32
      %mul3A_408 = arith.muli %select_n3A_406, %mul3A_407 : i32
      %dma_start3A_409 = arith.constant 0 : i32
      %dma_start3A_410 = tpu.memref_slice %arg6[%mul3A_408, %dma_start3A_409] : memref<320000x64xf32, #tpu.memory_space<hbm>> -> memref<128x64xf32, #tpu.memory_space<hbm>>
      %dma_start3A_411 = arith.constant 0 : i32
      %dma_start3A_412 = tpu.memref_slice %arg6[%mul3A_408, %dma_start3A_411] : memref<320000x64xf32, #tpu.memory_space<hbm>> -> memref<128x64xf32, #tpu.memory_space<hbm>>
      tpu.enqueue_dma source(%arg17 : memref<128x64xf32, #tpu.memory_space<vmem>>) target(%dma_start3A_412 : memref<128x64xf32, #tpu.memory_space<hbm>>) target_semaphore(%arg26 : memref<!tpu.dma_semaphore, #tpu.memory_space<semaphore_mem>>)
      %add3A_413 = arith.constant 1 : i32
      %add3A_414 = arith.addi %add3A_286, %add3A_413 : i32
      %lt3A_415 = arith.cmpi slt, %add3A_414, %add3A_4 : i32
      %mul3A_416 = arith.constant 32 : i32
      %mul3A_417 = arith.muli %mul3A_416, %add3A_414 : i32
      %add3A_418 = arith.addi %add3A, %mul3A_417 : i32
      %jit3A_419 = arith.constant 0 : i32
      %select_n3A_420 = arith.select %lt3A_415, %add3A_418, %jit3A_419 : i32
      %mul3A_421 = arith.constant 128 : i32
      %mul3A_422 = arith.muli %select_n3A_420, %mul3A_421 : i32
      %dma_start3A_423 = tpu.memref_slice %arg3[%mul3A_422] : memref<320000xi32, #tpu.memory_space<hbm>> -> memref<128xi32, #tpu.memory_space<hbm>>
      %dma_start3A_424 = tpu.memref_slice %arg3[%mul3A_422] : memref<320000xi32, #tpu.memory_space<hbm>> -> memref<128xi32, #tpu.memory_space<hbm>>
      tpu.enqueue_dma source(%dma_start3A_424 : memref<128xi32, #tpu.memory_space<hbm>>) target(%arg8 : memref<128xi32, #tpu.memory_space<vmem>>) target_semaphore(%arg20 : memref<!tpu.dma_semaphore, #tpu.memory_space<semaphore_mem>>)
      %dma_start3A_425 = tpu.memref_slice %arg4[%mul3A_422] : memref<320000xi32, #tpu.memory_space<hbm>> -> memref<128xi32, #tpu.memory_space<hbm>>
      %dma_start3A_426 = tpu.memref_slice %arg4[%mul3A_422] : memref<320000xi32, #tpu.memory_space<hbm>> -> memref<128xi32, #tpu.memory_space<hbm>>
      tpu.enqueue_dma source(%dma_start3A_426 : memref<128xi32, #tpu.memory_space<hbm>>) target(%arg11 : memref<128xi32, #tpu.memory_space<vmem>>) target_semaphore(%arg20 : memref<!tpu.dma_semaphore, #tpu.memory_space<semaphore_mem>>)
      %add3A_427 = arith.constant 1 : i32
      %add3A_428 = arith.addi %add3A_286, %add3A_427 : i32
      %dma_wait3A_429 = arith.constant 0 : i32
      %dma_wait3A_430 = tpu.memref_slice %arg3[%dma_wait3A_429] : memref<320000xi32, #tpu.memory_space<hbm>> -> memref<128xi32, #tpu.memory_space<hbm>>
      %dma_wait3A_431 = arith.constant 0 : i32
      %dma_wait3A_432 = tpu.memref_slice %arg3[%dma_wait3A_431] : memref<320000xi32, #tpu.memory_space<hbm>> -> memref<128xi32, #tpu.memory_space<hbm>>
      tpu.wait_dma2 semaphore(%arg20 : memref<!tpu.dma_semaphore, #tpu.memory_space<semaphore_mem>>) src(%dma_wait3A_432 : memref<128xi32, #tpu.memory_space<hbm>>) dst(%arg8 : memref<128xi32, #tpu.memory_space<vmem>>)
      %dma_wait3A_433 = arith.constant 0 : i32
      %dma_wait3A_434 = tpu.memref_slice %arg4[%dma_wait3A_433] : memref<320000xi32, #tpu.memory_space<hbm>> -> memref<128xi32, #tpu.memory_space<hbm>>
      %dma_wait3A_435 = arith.constant 0 : i32
      %dma_wait3A_436 = tpu.memref_slice %arg4[%dma_wait3A_435] : memref<320000xi32, #tpu.memory_space<hbm>> -> memref<128xi32, #tpu.memory_space<hbm>>
      tpu.wait_dma2 semaphore(%arg20 : memref<!tpu.dma_semaphore, #tpu.memory_space<semaphore_mem>>) src(%dma_wait3A_436 : memref<128xi32, #tpu.memory_space<hbm>>) dst(%arg11 : memref<128xi32, #tpu.memory_space<vmem>>)
      %get3A_437 = arith.constant 0 : index
      %get3A_438 = tpu.vector_load %arg8[%get3A_437] {strides = array<i32>} : memref<128xi32, #tpu.memory_space<vmem>>, vector<16xi32>,
      %gather3A_439 = tpu.vector_load_idx %arg7[%get3A_438] : memref<10000xi32, #tpu.memory_space<vmem>>[vector<16xi32>], vector<16xi32>,
      %get3A_440 = arith.constant 0 : index
      %get3A_441 = tpu.vector_load %arg11[%get3A_440] {strides = array<i32>} : memref<128xi32, #tpu.memory_space<vmem>>, vector<16xi32>,
      %gather3A_442 = tpu.vector_load_idx %arg7[%get3A_441] : memref<10000xi32, #tpu.memory_space<vmem>>[vector<16xi32>], vector<16xi32>,
      %mul3A_443 = arith.muli %gather3A_439, %gather3A_442 : vector<16xi32>
      %sub3A_444 = arith.subi %gather3A_439, %gather3A_442 : vector<16xi32>
      %abs3A_445 = math.absi %sub3A_444 : vector<16xi32>
      %add3A_446 = arith.addi %mul3A_443, %abs3A_445 : vector<16xi32>
      %swap3A_447 = arith.constant 0 : index
      %swap3A_448 = tpu.vector_load %arg14[%swap3A_447] {strides = array<i32>} : memref<128xi32, #tpu.memory_space<vmem>>, vector<16xi32>,
      tpu.vector_store %arg14[%swap3A_447], %add3A_446 {strides = array<i32>} : memref<128xi32, #tpu.memory_space<vmem>>, vector<16xi32>,
      %get3A_449 = arith.constant 16 : index
      %get3A_450 = tpu.vector_load %arg8[%get3A_449] {strides = array<i32>} : memref<128xi32, #tpu.memory_space<vmem>>, vector<16xi32>,
      %gather3A_451 = tpu.vector_load_idx %arg7[%get3A_450] : memref<10000xi32, #tpu.memory_space<vmem>>[vector<16xi32>], vector<16xi32>,
      %get3A_452 = arith.constant 16 : index
      %get3A_453 = tpu.vector_load %arg11[%get3A_452] {strides = array<i32>} : memref<128xi32, #tpu.memory_space<vmem>>, vector<16xi32>,
      %gather3A_454 = tpu.vector_load_idx %arg7[%get3A_453] : memref<10000xi32, #tpu.memory_space<vmem>>[vector<16xi32>], vector<16xi32>,
      %mul3A_455 = arith.muli %gather3A_451, %gather3A_454 : vector<16xi32>
      %sub3A_456 = arith.subi %gather3A_451, %gather3A_454 : vector<16xi32>
      %abs3A_457 = math.absi %sub3A_456 : vector<16xi32>
      %add3A_458 = arith.addi %mul3A_455, %abs3A_457 : vector<16xi32>
      %swap3A_459 = arith.constant 16 : index
      %swap3A_460 = tpu.vector_load %arg14[%swap3A_459] {strides = array<i32>} : memref<128xi32, #tpu.memory_space<vmem>>, vector<16xi32>,
      tpu.vector_store %arg14[%swap3A_459], %add3A_458 {strides = array<i32>} : memref<128xi32, #tpu.memory_space<vmem>>, vector<16xi32>,
      %get3A_461 = arith.constant 32 : index
      %get3A_462 = tpu.vector_load %arg8[%get3A_461] {strides = array<i32>} : memref<128xi32, #tpu.memory_space<vmem>>, vector<16xi32>,
      %gather3A_463 = tpu.vector_load_idx %arg7[%get3A_462] : memref<10000xi32, #tpu.memory_space<vmem>>[vector<16xi32>], vector<16xi32>,
      %get3A_464 = arith.constant 32 : index
      %get3A_465 = tpu.vector_load %arg11[%get3A_464] {strides = array<i32>} : memref<128xi32, #tpu.memory_space<vmem>>, vector<16xi32>,
      %gather3A_466 = tpu.vector_load_idx %arg7[%get3A_465] : memref<10000xi32, #tpu.memory_space<vmem>>[vector<16xi32>], vector<16xi32>,
      %mul3A_467 = arith.muli %gather3A_463, %gather3A_466 : vector<16xi32>
      %sub3A_468 = arith.subi %gather3A_463, %gather3A_466 : vector<16xi32>
      %abs3A_469 = math.absi %sub3A_468 : vector<16xi32>
      %add3A_470 = arith.addi %mul3A_467, %abs3A_469 : vector<16xi32>
      %swap3A_471 = arith.constant 32 : index
      %swap3A_472 = tpu.vector_load %arg14[%swap3A_471] {strides = array<i32>} : memref<128xi32, #tpu.memory_space<vmem>>, vector<16xi32>,
      tpu.vector_store %arg14[%swap3A_471], %add3A_470 {strides = array<i32>} : memref<128xi32, #tpu.memory_space<vmem>>, vector<16xi32>,
      %get3A_473 = arith.constant 48 : index
      %get3A_474 = tpu.vector_load %arg8[%get3A_473] {strides = array<i32>} : memref<128xi32, #tpu.memory_space<vmem>>, vector<16xi32>,
      %gather3A_475 = tpu.vector_load_idx %arg7[%get3A_474] : memref<10000xi32, #tpu.memory_space<vmem>>[vector<16xi32>], vector<16xi32>,
      %get3A_476 = arith.constant 48 : index
      %get3A_477 = tpu.vector_load %arg11[%get3A_476] {strides = array<i32>} : memref<128xi32, #tpu.memory_space<vmem>>, vector<16xi32>,
      %gather3A_478 = tpu.vector_load_idx %arg7[%get3A_477] : memref<10000xi32, #tpu.memory_space<vmem>>[vector<16xi32>], vector<16xi32>,
      %mul3A_479 = arith.muli %gather3A_475, %gather3A_478 : vector<16xi32>
      %sub3A_480 = arith.subi %gather3A_475, %gather3A_478 : vector<16xi32>
      %abs3A_481 = math.absi %sub3A_480 : vector<16xi32>
      %add3A_482 = arith.addi %mul3A_479, %abs3A_481 : vector<16xi32>
      %swap3A_483 = arith.constant 48 : index
      %swap3A_484 = tpu.vector_load %arg14[%swap3A_483] {strides = array<i32>} : memref<128xi32, #tpu.memory_space<vmem>>, vector<16xi32>,
      tpu.vector_store %arg14[%swap3A_483], %add3A_482 {strides = array<i32>} : memref<128xi32, #tpu.memory_space<vmem>>, vector<16xi32>,
      %get3A_485 = arith.constant 64 : index
      %get3A_486 = tpu.vector_load %arg8[%get3A_485] {strides = array<i32>} : memref<128xi32, #tpu.memory_space<vmem>>, vector<16xi32>,
      %gather3A_487 = tpu.vector_load_idx %arg7[%get3A_486] : memref<10000xi32, #tpu.memory_space<vmem>>[vector<16xi32>], vector<16xi32>,
      %get3A_488 = arith.constant 64 : index
      %get3A_489 = tpu.vector_load %arg11[%get3A_488] {strides = array<i32>} : memref<128xi32, #tpu.memory_space<vmem>>, vector<16xi32>,
      %gather3A_490 = tpu.vector_load_idx %arg7[%get3A_489] : memref<10000xi32, #tpu.memory_space<vmem>>[vector<16xi32>], vector<16xi32>,
      %mul3A_491 = arith.muli %gather3A_487, %gather3A_490 : vector<16xi32>
      %sub3A_492 = arith.subi %gather3A_487, %gather3A_490 : vector<16xi32>
      %abs3A_493 = math.absi %sub3A_492 : vector<16xi32>
      %add3A_494 = arith.addi %mul3A_491, %abs3A_493 : vector<16xi32>
      %swap3A_495 = arith.constant 64 : index
      %swap3A_496 = tpu.vector_load %arg14[%swap3A_495] {strides = array<i32>} : memref<128xi32, #tpu.memory_space<vmem>>, vector<16xi32>,
      tpu.vector_store %arg14[%swap3A_495], %add3A_494 {strides = array<i32>} : memref<128xi32, #tpu.memory_space<vmem>>, vector<16xi32>,
      %get3A_497 = arith.constant 80 : index
      %get3A_498 = tpu.vector_load %arg8[%get3A_497] {strides = array<i32>} : memref<128xi32, #tpu.memory_space<vmem>>, vector<16xi32>,
      %gather3A_499 = tpu.vector_load_idx %arg7[%get3A_498] : memref<10000xi32, #tpu.memory_space<vmem>>[vector<16xi32>], vector<16xi32>,
      %get3A_500 = arith.constant 80 : index
      %get3A_501 = tpu.vector_load %arg11[%get3A_500] {strides = array<i32>} : memref<128xi32, #tpu.memory_space<vmem>>, vector<16xi32>,
      %gather3A_502 = tpu.vector_load_idx %arg7[%get3A_501] : memref<10000xi32, #tpu.memory_space<vmem>>[vector<16xi32>], vector<16xi32>,
      %mul3A_503 = arith.muli %gather3A_499, %gather3A_502 : vector<16xi32>
      %sub3A_504 = arith.subi %gather3A_499, %gather3A_502 : vector<16xi32>
      %abs3A_505 = math.absi %sub3A_504 : vector<16xi32>
      %add3A_506 = arith.addi %mul3A_503, %abs3A_505 : vector<16xi32>
      %swap3A_507 = arith.constant 80 : index
      %swap3A_508 = tpu.vector_load %arg14[%swap3A_507] {strides = array<i32>} : memref<128xi32, #tpu.memory_space<vmem>>, vector<16xi32>,
      tpu.vector_store %arg14[%swap3A_507], %add3A_506 {strides = array<i32>} : memref<128xi32, #tpu.memory_space<vmem>>, vector<16xi32>,
      %get3A_509 = arith.constant 96 : index
      %get3A_510 = tpu.vector_load %arg8[%get3A_509] {strides = array<i32>} : memref<128xi32, #tpu.memory_space<vmem>>, vector<16xi32>,
      %gather3A_511 = tpu.vector_load_idx %arg7[%get3A_510] : memref<10000xi32, #tpu.memory_space<vmem>>[vector<16xi32>], vector<16xi32>,
      %get3A_512 = arith.constant 96 : index
      %get3A_513 = tpu.vector_load %arg11[%get3A_512] {strides = array<i32>} : memref<128xi32, #tpu.memory_space<vmem>>, vector<16xi32>,
      %gather3A_514 = tpu.vector_load_idx %arg7[%get3A_513] : memref<10000xi32, #tpu.memory_space<vmem>>[vector<16xi32>], vector<16xi32>,
      %mul3A_515 = arith.muli %gather3A_511, %gather3A_514 : vector<16xi32>
      %sub3A_516 = arith.subi %gather3A_511, %gather3A_514 : vector<16xi32>
      %abs3A_517 = math.absi %sub3A_516 : vector<16xi32>
      %add3A_518 = arith.addi %mul3A_515, %abs3A_517 : vector<16xi32>
      %swap3A_519 = arith.constant 96 : index
      %swap3A_520 = tpu.vector_load %arg14[%swap3A_519] {strides = array<i32>} : memref<128xi32, #tpu.memory_space<vmem>>, vector<16xi32>,
      tpu.vector_store %arg14[%swap3A_519], %add3A_518 {strides = array<i32>} : memref<128xi32, #tpu.memory_space<vmem>>, vector<16xi32>,
      %get3A_521 = arith.constant 112 : index
      %get3A_522 = tpu.vector_load %arg8[%get3A_521] {strides = array<i32>} : memref<128xi32, #tpu.memory_space<vmem>>, vector<16xi32>,
      %gather3A_523 = tpu.vector_load_idx %arg7[%get3A_522] : memref<10000xi32, #tpu.memory_space<vmem>>[vector<16xi32>], vector<16xi32>,
      %get3A_524 = arith.constant 112 : index
      %get3A_525 = tpu.vector_load %arg11[%get3A_524] {strides = array<i32>} : memref<128xi32, #tpu.memory_space<vmem>>, vector<16xi32>,
      %gather3A_526 = tpu.vector_load_idx %arg7[%get3A_525] : memref<10000xi32, #tpu.memory_space<vmem>>[vector<16xi32>], vector<16xi32>,
      %mul3A_527 = arith.muli %gather3A_523, %gather3A_526 : vector<16xi32>
      %sub3A_528 = arith.subi %gather3A_523, %gather3A_526 : vector<16xi32>
      %abs3A_529 = math.absi %sub3A_528 : vector<16xi32>
      %add3A_530 = arith.addi %mul3A_527, %abs3A_529 : vector<16xi32>
      %swap3A_531 = arith.constant 112 : index
      %swap3A_532 = tpu.vector_load %arg14[%swap3A_531] {strides = array<i32>} : memref<128xi32, #tpu.memory_space<vmem>>, vector<16xi32>,
      tpu.vector_store %arg14[%swap3A_531], %add3A_530 {strides = array<i32>} : memref<128xi32, #tpu.memory_space<vmem>>, vector<16xi32>,
      %dma_wait3A_533 = arith.constant 0 : i32
      %dma_wait3A_534 = arith.constant 0 : i32
      %dma_wait3A_535 = tpu.memref_slice %arg6[%dma_wait3A_533, %dma_wait3A_534] : memref<320000x64xf32, #tpu.memory_space<hbm>> -> memref<128x64xf32, #tpu.memory_space<hbm>>
      %dma_wait3A_536 = arith.constant 0 : i32
      %dma_wait3A_537 = arith.constant 0 : i32
      %dma_wait3A_538 = tpu.memref_slice %arg6[%dma_wait3A_536, %dma_wait3A_537] : memref<320000x64xf32, #tpu.memory_space<hbm>> -> memref<128x64xf32, #tpu.memory_space<hbm>>
      tpu.wait_dma2 semaphore(%arg26 : memref<!tpu.dma_semaphore, #tpu.memory_space<semaphore_mem>>) src(%arg17 : memref<128x64xf32, #tpu.memory_space<vmem>>) dst(%dma_wait3A_538 : memref<128x64xf32, #tpu.memory_space<hbm>>)
      %dma_start3A_539 = arith.constant 0 : i32
      %dma_start3A_540 = arith.constant 0 : i32
      %dma_start3A_541 = tpu.memref_slice %arg5[%dma_start3A_539, %dma_start3A_540] : memref<3000x64xf32, #tpu.memory_space<hbm>> -> memref<3000x64xf32, #tpu.memory_space<hbm>>
      tpu.enqueue_indirect_dma source(%dma_start3A_541 : memref<3000x64xf32, #tpu.memory_space<hbm>>) target(%arg17 : memref<128x64xf32, #tpu.memory_space<vmem>>) offsets(%arg14 : memref<128xi32, #tpu.memory_space<vmem>>) semaphore(%arg23 : memref<!tpu.dma_semaphore, #tpu.memory_space<semaphore_mem>>)
      %dma_wait3A_542 = arith.constant 0 : i32
      %dma_wait3A_543 = arith.constant 0 : i32
      %dma_wait3A_544 = tpu.memref_slice %arg5[%dma_wait3A_542, %dma_wait3A_543] : memref<3000x64xf32, #tpu.memory_space<hbm>> -> memref<3000x64xf32, #tpu.memory_space<hbm>>
      tpu.wait_indirect_dma semaphore(%arg24 : memref<!tpu.dma_semaphore, #tpu.memory_space<semaphore_mem>>) src(%dma_wait3A_544 : memref<3000x64xf32, #tpu.memory_space<hbm>>) dst(%arg18 : memref<128x64xf32, #tpu.memory_space<vmem>>)
      %sub3A_545 = arith.constant 2 : i32
      %sub3A_546 = arith.subi %add3A_428, %sub3A_545 : i32
      %lt3A_547 = arith.cmpi slt, %sub3A_546, %add3A_4 : i32
      %mul3A_548 = arith.constant 32 : i32
      %mul3A_549 = arith.muli %mul3A_548, %sub3A_546 : i32
      %add3A_550 = arith.addi %add3A, %mul3A_549 : i32
      %jit3A_551 = arith.constant 0 : i32
      %select_n3A_552 = arith.select %lt3A_547, %add3A_550, %jit3A_551 : i32
      %mul3A_553 = arith.constant 128 : i32
      %mul3A_554 = arith.muli %select_n3A_552, %mul3A_553 : i32
      %dma_start3A_555 = arith.constant 0 : i32
      %dma_start3A_556 = tpu.memref_slice %arg6[%mul3A_554, %dma_start3A_555] : memref<320000x64xf32, #tpu.memory_space<hbm>> -> memref<128x64xf32, #tpu.memory_space<hbm>>
      %dma_start3A_557 = arith.constant 0 : i32
      %dma_start3A_558 = tpu.memref_slice %arg6[%mul3A_554, %dma_start3A_557] : memref<320000x64xf32, #tpu.memory_space<hbm>> -> memref<128x64xf32, #tpu.memory_space<hbm>>
      tpu.enqueue_dma source(%arg18 : memref<128x64xf32, #tpu.memory_space<vmem>>) target(%dma_start3A_558 : memref<128x64xf32, #tpu.memory_space<hbm>>) target_semaphore(%arg27 : memref<!tpu.dma_semaphore, #tpu.memory_space<semaphore_mem>>)
      %add3A_559 = arith.constant 1 : i32
      %add3A_560 = arith.addi %add3A_428, %add3A_559 : i32
      %lt3A_561 = arith.cmpi slt, %add3A_560, %add3A_4 : i32
      %mul3A_562 = arith.constant 32 : i32
      %mul3A_563 = arith.muli %mul3A_562, %add3A_560 : i32
      %add3A_564 = arith.addi %add3A, %mul3A_563 : i32
      %jit3A_565 = arith.constant 0 : i32
      %select_n3A_566 = arith.select %lt3A_561, %add3A_564, %jit3A_565 : i32
      %mul3A_567 = arith.constant 128 : i32
      %mul3A_568 = arith.muli %select_n3A_566, %mul3A_567 : i32
      %dma_start3A_569 = tpu.memref_slice %arg3[%mul3A_568] : memref<320000xi32, #tpu.memory_space<hbm>> -> memref<128xi32, #tpu.memory_space<hbm>>
      %dma_start3A_570 = tpu.memref_slice %arg3[%mul3A_568] : memref<320000xi32, #tpu.memory_space<hbm>> -> memref<128xi32, #tpu.memory_space<hbm>>
      tpu.enqueue_dma source(%dma_start3A_570 : memref<128xi32, #tpu.memory_space<hbm>>) target(%arg9 : memref<128xi32, #tpu.memory_space<vmem>>) target_semaphore(%arg21 : memref<!tpu.dma_semaphore, #tpu.memory_space<semaphore_mem>>)
      %dma_start3A_571 = tpu.memref_slice %arg4[%mul3A_568] : memref<320000xi32, #tpu.memory_space<hbm>> -> memref<128xi32, #tpu.memory_space<hbm>>
      %dma_start3A_572 = tpu.memref_slice %arg4[%mul3A_568] : memref<320000xi32, #tpu.memory_space<hbm>> -> memref<128xi32, #tpu.memory_space<hbm>>
      tpu.enqueue_dma source(%dma_start3A_572 : memref<128xi32, #tpu.memory_space<hbm>>) target(%arg12 : memref<128xi32, #tpu.memory_space<vmem>>) target_semaphore(%arg21 : memref<!tpu.dma_semaphore, #tpu.memory_space<semaphore_mem>>)
      %add3A_573 = arith.constant 2 : i32
      %add3A_574 = arith.addi %add3A_286, %add3A_573 : i32
      %dma_wait3A_575 = arith.constant 0 : i32
      %dma_wait3A_576 = tpu.memref_slice %arg3[%dma_wait3A_575] : memref<320000xi32, #tpu.memory_space<hbm>> -> memref<128xi32, #tpu.memory_space<hbm>>
      %dma_wait3A_577 = arith.constant 0 : i32
      %dma_wait3A_578 = tpu.memref_slice %arg3[%dma_wait3A_577] : memref<320000xi32, #tpu.memory_space<hbm>> -> memref<128xi32, #tpu.memory_space<hbm>>
      tpu.wait_dma2 semaphore(%arg21 : memref<!tpu.dma_semaphore, #tpu.memory_space<semaphore_mem>>) src(%dma_wait3A_578 : memref<128xi32, #tpu.memory_space<hbm>>) dst(%arg9 : memref<128xi32, #tpu.memory_space<vmem>>)
      %dma_wait3A_579 = arith.constant 0 : i32
      %dma_wait3A_580 = tpu.memref_slice %arg4[%dma_wait3A_579] : memref<320000xi32, #tpu.memory_space<hbm>> -> memref<128xi32, #tpu.memory_space<hbm>>
      %dma_wait3A_581 = arith.constant 0 : i32
      %dma_wait3A_582 = tpu.memref_slice %arg4[%dma_wait3A_581] : memref<320000xi32, #tpu.memory_space<hbm>> -> memref<128xi32, #tpu.memory_space<hbm>>
      tpu.wait_dma2 semaphore(%arg21 : memref<!tpu.dma_semaphore, #tpu.memory_space<semaphore_mem>>) src(%dma_wait3A_582 : memref<128xi32, #tpu.memory_space<hbm>>) dst(%arg12 : memref<128xi32, #tpu.memory_space<vmem>>)
      %get3A_583 = arith.constant 0 : index
      %get3A_584 = tpu.vector_load %arg9[%get3A_583] {strides = array<i32>} : memref<128xi32, #tpu.memory_space<vmem>>, vector<16xi32>,
      %gather3A_585 = tpu.vector_load_idx %arg7[%get3A_584] : memref<10000xi32, #tpu.memory_space<vmem>>[vector<16xi32>], vector<16xi32>,
      %get3A_586 = arith.constant 0 : index
      %get3A_587 = tpu.vector_load %arg12[%get3A_586] {strides = array<i32>} : memref<128xi32, #tpu.memory_space<vmem>>, vector<16xi32>,
      %gather3A_588 = tpu.vector_load_idx %arg7[%get3A_587] : memref<10000xi32, #tpu.memory_space<vmem>>[vector<16xi32>], vector<16xi32>,
      %mul3A_589 = arith.muli %gather3A_585, %gather3A_588 : vector<16xi32>
      %sub3A_590 = arith.subi %gather3A_585, %gather3A_588 : vector<16xi32>
      %abs3A_591 = math.absi %sub3A_590 : vector<16xi32>
      %add3A_592 = arith.addi %mul3A_589, %abs3A_591 : vector<16xi32>
      %swap3A_593 = arith.constant 0 : index
      %swap3A_594 = tpu.vector_load %arg15[%swap3A_593] {strides = array<i32>} : memref<128xi32, #tpu.memory_space<vmem>>, vector<16xi32>,
      tpu.vector_store %arg15[%swap3A_593], %add3A_592 {strides = array<i32>} : memref<128xi32, #tpu.memory_space<vmem>>, vector<16xi32>,
      %get3A_595 = arith.constant 16 : index
      %get3A_596 = tpu.vector_load %arg9[%get3A_595] {strides = array<i32>} : memref<128xi32, #tpu.memory_space<vmem>>, vector<16xi32>,
      %gather3A_597 = tpu.vector_load_idx %arg7[%get3A_596] : memref<10000xi32, #tpu.memory_space<vmem>>[vector<16xi32>], vector<16xi32>,
      %get3A_598 = arith.constant 16 : index
      %get3A_599 = tpu.vector_load %arg12[%get3A_598] {strides = array<i32>} : memref<128xi32, #tpu.memory_space<vmem>>, vector<16xi32>,
      %gather3A_600 = tpu.vector_load_idx %arg7[%get3A_599] : memref<10000xi32, #tpu.memory_space<vmem>>[vector<16xi32>], vector<16xi32>,
      %mul3A_601 = arith.muli %gather3A_597, %gather3A_600 : vector<16xi32>
      %sub3A_602 = arith.subi %gather3A_597, %gather3A_600 : vector<16xi32>
      %abs3A_603 = math.absi %sub3A_602 : vector<16xi32>
      %add3A_604 = arith.addi %mul3A_601, %abs3A_603 : vector<16xi32>
      %swap3A_605 = arith.constant 16 : index
      %swap3A_606 = tpu.vector_load %arg15[%swap3A_605] {strides = array<i32>} : memref<128xi32, #tpu.memory_space<vmem>>, vector<16xi32>,
      tpu.vector_store %arg15[%swap3A_605], %add3A_604 {strides = array<i32>} : memref<128xi32, #tpu.memory_space<vmem>>, vector<16xi32>,
      %get3A_607 = arith.constant 32 : index
      %get3A_608 = tpu.vector_load %arg9[%get3A_607] {strides = array<i32>} : memref<128xi32, #tpu.memory_space<vmem>>, vector<16xi32>,
      %gather3A_609 = tpu.vector_load_idx %arg7[%get3A_608] : memref<10000xi32, #tpu.memory_space<vmem>>[vector<16xi32>], vector<16xi32>,
      %get3A_610 = arith.constant 32 : index
      %get3A_611 = tpu.vector_load %arg12[%get3A_610] {strides = array<i32>} : memref<128xi32, #tpu.memory_space<vmem>>, vector<16xi32>,
      %gather3A_612 = tpu.vector_load_idx %arg7[%get3A_611] : memref<10000xi32, #tpu.memory_space<vmem>>[vector<16xi32>], vector<16xi32>,
      %mul3A_613 = arith.muli %gather3A_609, %gather3A_612 : vector<16xi32>
      %sub3A_614 = arith.subi %gather3A_609, %gather3A_612 : vector<16xi32>
      %abs3A_615 = math.absi %sub3A_614 : vector<16xi32>
      %add3A_616 = arith.addi %mul3A_613, %abs3A_615 : vector<16xi32>
      %swap3A_617 = arith.constant 32 : index
      %swap3A_618 = tpu.vector_load %arg15[%swap3A_617] {strides = array<i32>} : memref<128xi32, #tpu.memory_space<vmem>>, vector<16xi32>,
      tpu.vector_store %arg15[%swap3A_617], %add3A_616 {strides = array<i32>} : memref<128xi32, #tpu.memory_space<vmem>>, vector<16xi32>,
      %get3A_619 = arith.constant 48 : index
      %get3A_620 = tpu.vector_load %arg9[%get3A_619] {strides = array<i32>} : memref<128xi32, #tpu.memory_space<vmem>>, vector<16xi32>,
      %gather3A_621 = tpu.vector_load_idx %arg7[%get3A_620] : memref<10000xi32, #tpu.memory_space<vmem>>[vector<16xi32>], vector<16xi32>,
      %get3A_622 = arith.constant 48 : index
      %get3A_623 = tpu.vector_load %arg12[%get3A_622] {strides = array<i32>} : memref<128xi32, #tpu.memory_space<vmem>>, vector<16xi32>,
      %gather3A_624 = tpu.vector_load_idx %arg7[%get3A_623] : memref<10000xi32, #tpu.memory_space<vmem>>[vector<16xi32>], vector<16xi32>,
      %mul3A_625 = arith.muli %gather3A_621, %gather3A_624 : vector<16xi32>
      %sub3A_626 = arith.subi %gather3A_621, %gather3A_624 : vector<16xi32>
      %abs3A_627 = math.absi %sub3A_626 : vector<16xi32>
      %add3A_628 = arith.addi %mul3A_625, %abs3A_627 : vector<16xi32>
      %swap3A_629 = arith.constant 48 : index
      %swap3A_630 = tpu.vector_load %arg15[%swap3A_629] {strides = array<i32>} : memref<128xi32, #tpu.memory_space<vmem>>, vector<16xi32>,
      tpu.vector_store %arg15[%swap3A_629], %add3A_628 {strides = array<i32>} : memref<128xi32, #tpu.memory_space<vmem>>, vector<16xi32>,
      %get3A_631 = arith.constant 64 : index
      %get3A_632 = tpu.vector_load %arg9[%get3A_631] {strides = array<i32>} : memref<128xi32, #tpu.memory_space<vmem>>, vector<16xi32>,
      %gather3A_633 = tpu.vector_load_idx %arg7[%get3A_632] : memref<10000xi32, #tpu.memory_space<vmem>>[vector<16xi32>], vector<16xi32>,
      %get3A_634 = arith.constant 64 : index
      %get3A_635 = tpu.vector_load %arg12[%get3A_634] {strides = array<i32>} : memref<128xi32, #tpu.memory_space<vmem>>, vector<16xi32>,
      %gather3A_636 = tpu.vector_load_idx %arg7[%get3A_635] : memref<10000xi32, #tpu.memory_space<vmem>>[vector<16xi32>], vector<16xi32>,
      %mul3A_637 = arith.muli %gather3A_633, %gather3A_636 : vector<16xi32>
      %sub3A_638 = arith.subi %gather3A_633, %gather3A_636 : vector<16xi32>
      %abs3A_639 = math.absi %sub3A_638 : vector<16xi32>
      %add3A_640 = arith.addi %mul3A_637, %abs3A_639 : vector<16xi32>
      %swap3A_641 = arith.constant 64 : index
      %swap3A_642 = tpu.vector_load %arg15[%swap3A_641] {strides = array<i32>} : memref<128xi32, #tpu.memory_space<vmem>>, vector<16xi32>,
      tpu.vector_store %arg15[%swap3A_641], %add3A_640 {strides = array<i32>} : memref<128xi32, #tpu.memory_space<vmem>>, vector<16xi32>,
      %get3A_643 = arith.constant 80 : index
      %get3A_644 = tpu.vector_load %arg9[%get3A_643] {strides = array<i32>} : memref<128xi32, #tpu.memory_space<vmem>>, vector<16xi32>,
      %gather3A_645 = tpu.vector_load_idx %arg7[%get3A_644] : memref<10000xi32, #tpu.memory_space<vmem>>[vector<16xi32>], vector<16xi32>,
      %get3A_646 = arith.constant 80 : index
      %get3A_647 = tpu.vector_load %arg12[%get3A_646] {strides = array<i32>} : memref<128xi32, #tpu.memory_space<vmem>>, vector<16xi32>,
      %gather3A_648 = tpu.vector_load_idx %arg7[%get3A_647] : memref<10000xi32, #tpu.memory_space<vmem>>[vector<16xi32>], vector<16xi32>,
      %mul3A_649 = arith.muli %gather3A_645, %gather3A_648 : vector<16xi32>
      %sub3A_650 = arith.subi %gather3A_645, %gather3A_648 : vector<16xi32>
      %abs3A_651 = math.absi %sub3A_650 : vector<16xi32>
      %add3A_652 = arith.addi %mul3A_649, %abs3A_651 : vector<16xi32>
      %swap3A_653 = arith.constant 80 : index
      %swap3A_654 = tpu.vector_load %arg15[%swap3A_653] {strides = array<i32>} : memref<128xi32, #tpu.memory_space<vmem>>, vector<16xi32>,
      tpu.vector_store %arg15[%swap3A_653], %add3A_652 {strides = array<i32>} : memref<128xi32, #tpu.memory_space<vmem>>, vector<16xi32>,
      %get3A_655 = arith.constant 96 : index
      %get3A_656 = tpu.vector_load %arg9[%get3A_655] {strides = array<i32>} : memref<128xi32, #tpu.memory_space<vmem>>, vector<16xi32>,
      %gather3A_657 = tpu.vector_load_idx %arg7[%get3A_656] : memref<10000xi32, #tpu.memory_space<vmem>>[vector<16xi32>], vector<16xi32>,
      %get3A_658 = arith.constant 96 : index
      %get3A_659 = tpu.vector_load %arg12[%get3A_658] {strides = array<i32>} : memref<128xi32, #tpu.memory_space<vmem>>, vector<16xi32>,
      %gather3A_660 = tpu.vector_load_idx %arg7[%get3A_659] : memref<10000xi32, #tpu.memory_space<vmem>>[vector<16xi32>], vector<16xi32>,
      %mul3A_661 = arith.muli %gather3A_657, %gather3A_660 : vector<16xi32>
      %sub3A_662 = arith.subi %gather3A_657, %gather3A_660 : vector<16xi32>
      %abs3A_663 = math.absi %sub3A_662 : vector<16xi32>
      %add3A_664 = arith.addi %mul3A_661, %abs3A_663 : vector<16xi32>
      %swap3A_665 = arith.constant 96 : index
      %swap3A_666 = tpu.vector_load %arg15[%swap3A_665] {strides = array<i32>} : memref<128xi32, #tpu.memory_space<vmem>>, vector<16xi32>,
      tpu.vector_store %arg15[%swap3A_665], %add3A_664 {strides = array<i32>} : memref<128xi32, #tpu.memory_space<vmem>>, vector<16xi32>,
      %get3A_667 = arith.constant 112 : index
      %get3A_668 = tpu.vector_load %arg9[%get3A_667] {strides = array<i32>} : memref<128xi32, #tpu.memory_space<vmem>>, vector<16xi32>,
      %gather3A_669 = tpu.vector_load_idx %arg7[%get3A_668] : memref<10000xi32, #tpu.memory_space<vmem>>[vector<16xi32>], vector<16xi32>,
      %get3A_670 = arith.constant 112 : index
      %get3A_671 = tpu.vector_load %arg12[%get3A_670] {strides = array<i32>} : memref<128xi32, #tpu.memory_space<vmem>>, vector<16xi32>,
      %gather3A_672 = tpu.vector_load_idx %arg7[%get3A_671] : memref<10000xi32, #tpu.memory_space<vmem>>[vector<16xi32>], vector<16xi32>,
      %mul3A_673 = arith.muli %gather3A_669, %gather3A_672 : vector<16xi32>
      %sub3A_674 = arith.subi %gather3A_669, %gather3A_672 : vector<16xi32>
      %abs3A_675 = math.absi %sub3A_674 : vector<16xi32>
      %add3A_676 = arith.addi %mul3A_673, %abs3A_675 : vector<16xi32>
      %swap3A_677 = arith.constant 112 : index
      %swap3A_678 = tpu.vector_load %arg15[%swap3A_677] {strides = array<i32>} : memref<128xi32, #tpu.memory_space<vmem>>, vector<16xi32>,
      tpu.vector_store %arg15[%swap3A_677], %add3A_676 {strides = array<i32>} : memref<128xi32, #tpu.memory_space<vmem>>, vector<16xi32>,
      %dma_wait3A_679 = arith.constant 0 : i32
      %dma_wait3A_680 = arith.constant 0 : i32
      %dma_wait3A_681 = tpu.memref_slice %arg6[%dma_wait3A_679, %dma_wait3A_680] : memref<320000x64xf32, #tpu.memory_space<hbm>> -> memref<128x64xf32, #tpu.memory_space<hbm>>
      %dma_wait3A_682 = arith.constant 0 : i32
      %dma_wait3A_683 = arith.constant 0 : i32
      %dma_wait3A_684 = tpu.memref_slice %arg6[%dma_wait3A_682, %dma_wait3A_683] : memref<320000x64xf32, #tpu.memory_space<hbm>> -> memref<128x64xf32, #tpu.memory_space<hbm>>
      tpu.wait_dma2 semaphore(%arg27 : memref<!tpu.dma_semaphore, #tpu.memory_space<semaphore_mem>>) src(%arg18 : memref<128x64xf32, #tpu.memory_space<vmem>>) dst(%dma_wait3A_684 : memref<128x64xf32, #tpu.memory_space<hbm>>)
      %dma_start3A_685 = arith.constant 0 : i32
      %dma_start3A_686 = arith.constant 0 : i32
      %dma_start3A_687 = tpu.memref_slice %arg5[%dma_start3A_685, %dma_start3A_686] : memref<3000x64xf32, #tpu.memory_space<hbm>> -> memref<3000x64xf32, #tpu.memory_space<hbm>>
      tpu.enqueue_indirect_dma source(%dma_start3A_687 : memref<3000x64xf32, #tpu.memory_space<hbm>>) target(%arg18 : memref<128x64xf32, #tpu.memory_space<vmem>>) offsets(%arg15 : memref<128xi32, #tpu.memory_space<vmem>>) semaphore(%arg24 : memref<!tpu.dma_semaphore, #tpu.memory_space<semaphore_mem>>)
      %dma_wait3A_688 = arith.constant 0 : i32
      %dma_wait3A_689 = arith.constant 0 : i32
      %dma_wait3A_690 = tpu.memref_slice %arg5[%dma_wait3A_688, %dma_wait3A_689] : memref<3000x64xf32, #tpu.memory_space<hbm>> -> memref<3000x64xf32, #tpu.memory_space<hbm>>
      tpu.wait_indirect_dma semaphore(%arg25 : memref<!tpu.dma_semaphore, #tpu.memory_space<semaphore_mem>>) src(%dma_wait3A_690 : memref<3000x64xf32, #tpu.memory_space<hbm>>) dst(%arg19 : memref<128x64xf32, #tpu.memory_space<vmem>>)
      %sub3A_691 = arith.constant 2 : i32
      %sub3A_692 = arith.subi %add3A_574, %sub3A_691 : i32
      %lt3A_693 = arith.cmpi slt, %sub3A_692, %add3A_4 : i32
      %mul3A_694 = arith.constant 32 : i32
      %mul3A_695 = arith.muli %mul3A_694, %sub3A_692 : i32
      %add3A_696 = arith.addi %add3A, %mul3A_695 : i32
      %jit3A_697 = arith.constant 0 : i32
      %select_n3A_698 = arith.select %lt3A_693, %add3A_696, %jit3A_697 : i32
      %mul3A_699 = arith.constant 128 : i32
      %mul3A_700 = arith.muli %select_n3A_698, %mul3A_699 : i32
      %dma_start3A_701 = arith.constant 0 : i32
      %dma_start3A_702 = tpu.memref_slice %arg6[%mul3A_700, %dma_start3A_701] : memref<320000x64xf32, #tpu.memory_space<hbm>> -> memref<128x64xf32, #tpu.memory_space<hbm>>
      %dma_start3A_703 = arith.constant 0 : i32
      %dma_start3A_704 = tpu.memref_slice %arg6[%mul3A_700, %dma_start3A_703] : memref<320000x64xf32, #tpu.memory_space<hbm>> -> memref<128x64xf32, #tpu.memory_space<hbm>>
      tpu.enqueue_dma source(%arg19 : memref<128x64xf32, #tpu.memory_space<vmem>>) target(%dma_start3A_704 : memref<128x64xf32, #tpu.memory_space<hbm>>) target_semaphore(%arg28 : memref<!tpu.dma_semaphore, #tpu.memory_space<semaphore_mem>>)
      %add3A_705 = arith.constant 1 : i32
      %add3A_706 = arith.addi %add3A_574, %add3A_705 : i32
      %lt3A_707 = arith.constant 80 : i32
      %lt3A_708 = arith.cmpi slt, %add3A_706, %lt3A_707 : i32
      %convert_element_type3A_709 = arith.extui %lt3A_708 : i1 to i32
      %cond3A_710 = arith.constant 0 : i32
      %cond3A_711 = arith.cmpi ne, %convert_element_type3A_709, %cond3A_710 : i32
      scf.if %cond3A_711 {
        %add3A_712 = arith.constant 1 : i32
        %add3A_713 = arith.addi %add3A_574, %add3A_712 : i32
        %lt3A_714 = arith.cmpi slt, %add3A_713, %add3A_4 : i32
        %mul3A_715 = arith.constant 32 : i32
        %mul3A_716 = arith.muli %mul3A_715, %add3A_713 : i32
        %add3A_717 = arith.addi %add3A, %mul3A_716 : i32
        %jit3A_718 = arith.constant 0 : i32
        %select_n3A_719 = arith.select %lt3A_714, %add3A_717, %jit3A_718 : i32
        %mul3A_720 = arith.constant 128 : i32
        %mul3A_721 = arith.muli %select_n3A_719, %mul3A_720 : i32
        %dma_start3A_722 = tpu.memref_slice %arg3[%mul3A_721] : memref<320000xi32, #tpu.memory_space<hbm>> -> memref<128xi32, #tpu.memory_space<hbm>>
        %dma_start3A_723 = tpu.memref_slice %arg3[%mul3A_721] : memref<320000xi32, #tpu.memory_space<hbm>> -> memref<128xi32, #tpu.memory_space<hbm>>
        tpu.enqueue_dma source(%dma_start3A_723 : memref<128xi32, #tpu.memory_space<hbm>>) target(%arg10 : memref<128xi32, #tpu.memory_space<vmem>>) target_semaphore(%arg22 : memref<!tpu.dma_semaphore, #tpu.memory_space<semaphore_mem>>)
        %dma_start3A_724 = tpu.memref_slice %arg4[%mul3A_721] : memref<320000xi32, #tpu.memory_space<hbm>> -> memref<128xi32, #tpu.memory_space<hbm>>
        %dma_start3A_725 = tpu.memref_slice %arg4[%mul3A_721] : memref<320000xi32, #tpu.memory_space<hbm>> -> memref<128xi32, #tpu.memory_space<hbm>>
        tpu.enqueue_dma source(%dma_start3A_725 : memref<128xi32, #tpu.memory_space<hbm>>) target(%arg13 : memref<128xi32, #tpu.memory_space<vmem>>) target_semaphore(%arg22 : memref<!tpu.dma_semaphore, #tpu.memory_space<semaphore_mem>>)
      } else {
      }
    }
    %scan3A_251 = arith.constant 26 : i32
    %dma_wait3A_252 = arith.constant 0 : i32
    %dma_wait3A_253 = arith.constant 0 : i32
    %dma_wait3A_254 = tpu.memref_slice %arg5[%dma_wait3A_252, %dma_wait3A_253] : memref<3000x64xf32, #tpu.memory_space<hbm>> -> memref<3000x64xf32, #tpu.memory_space<hbm>>
    tpu.wait_indirect_dma semaphore(%arg23 : memref<!tpu.dma_semaphore, #tpu.memory_space<semaphore_mem>>) src(%dma_wait3A_254 : memref<3000x64xf32, #tpu.memory_space<hbm>>) dst(%arg17 : memref<128x64xf32, #tpu.memory_space<vmem>>)
    %gt3A_255 = arith.constant 78 : i32
    %gt3A_256 = arith.cmpi sgt, %add3A_4, %gt3A_255 : i32
    %add3A_257 = arith.constant 2496 : i32
    %add3A_258 = arith.addi %add3A, %add3A_257 : i32
    %jit3A_259 = arith.constant 0 : i32
    %select_n3A_260 = arith.select %gt3A_256, %add3A_258, %jit3A_259 : i32
    %mul3A_261 = arith.constant 128 : i32
    %mul3A_262 = arith.muli %select_n3A_260, %mul3A_261 : i32
    %dma_start3A_263 = arith.constant 0 : i32
    %dma_start3A_264 = tpu.memref_slice %arg6[%mul3A_262, %dma_start3A_263] : memref<320000x64xf32, #tpu.memory_space<hbm>> -> memref<128x64xf32, #tpu.memory_space<hbm>>
    %dma_start3A_265 = arith.constant 0 : i32
    %dma_start3A_266 = tpu.memref_slice %arg6[%mul3A_262, %dma_start3A_265] : memref<320000x64xf32, #tpu.memory_space<hbm>> -> memref<128x64xf32, #tpu.memory_space<hbm>>
    tpu.enqueue_dma source(%arg17 : memref<128x64xf32, #tpu.memory_space<vmem>>) target(%dma_start3A_266 : memref<128x64xf32, #tpu.memory_space<hbm>>) target_semaphore(%arg26 : memref<!tpu.dma_semaphore, #tpu.memory_space<semaphore_mem>>)
    %dma_wait3A_267 = arith.constant 0 : i32
    %dma_wait3A_268 = arith.constant 0 : i32
    %dma_wait3A_269 = tpu.memref_slice %arg5[%dma_wait3A_267, %dma_wait3A_268] : memref<3000x64xf32, #tpu.memory_space<hbm>> -> memref<3000x64xf32, #tpu.memory_space<hbm>>
    tpu.wait_indirect_dma semaphore(%arg24 : memref<!tpu.dma_semaphore, #tpu.memory_space<semaphore_mem>>) src(%dma_wait3A_269 : memref<3000x64xf32, #tpu.memory_space<hbm>>) dst(%arg18 : memref<128x64xf32, #tpu.memory_space<vmem>>)
    %dma_wait3A_270 = arith.constant 0 : i32
    %dma_wait3A_271 = arith.constant 0 : i32
    %dma_wait3A_272 = tpu.memref_slice %arg6[%dma_wait3A_270, %dma_wait3A_271] : memref<320000x64xf32, #tpu.memory_space<hbm>> -> memref<128x64xf32, #tpu.memory_space<hbm>>
    %dma_wait3A_273 = arith.constant 0 : i32
    %dma_wait3A_274 = arith.constant 0 : i32
    %dma_wait3A_275 = tpu.memref_slice %arg6[%dma_wait3A_273, %dma_wait3A_274] : memref<320000x64xf32, #tpu.memory_space<hbm>> -> memref<128x64xf32, #tpu.memory_space<hbm>>
    tpu.wait_dma2 semaphore(%arg28 : memref<!tpu.dma_semaphore, #tpu.memory_space<semaphore_mem>>) src(%arg19 : memref<128x64xf32, #tpu.memory_space<vmem>>) dst(%dma_wait3A_275 : memref<128x64xf32, #tpu.memory_space<hbm>>)
    %dma_wait3A_276 = arith.constant 0 : i32
    %dma_wait3A_277 = arith.constant 0 : i32
    %dma_wait3A_278 = tpu.memref_slice %arg6[%dma_wait3A_276, %dma_wait3A_277] : memref<320000x64xf32, #tpu.memory_space<hbm>> -> memref<128x64xf32, #tpu.memory_space<hbm>>
    %dma_wait3A_279 = arith.constant 0 : i32
    %dma_wait3A_280 = arith.constant 0 : i32
    %dma_wait3A_281 = tpu.memref_slice %arg6[%dma_wait3A_279, %dma_wait3A_280] : memref<320000x64xf32, #tpu.memory_space<hbm>> -> memref<128x64xf32, #tpu.memory_space<hbm>>
    tpu.wait_dma2 semaphore(%arg26 : memref<!tpu.dma_semaphore, #tpu.memory_space<semaphore_mem>>) src(%arg17 : memref<128x64xf32, #tpu.memory_space<vmem>>) dst(%dma_wait3A_281 : memref<128x64xf32, #tpu.memory_space<hbm>>)
    return
  }
}

</mosaic_0001>

<sc_bundles>
// kernel: _sc_edge_embed.3.cloned.1.call-start
scs
__scs_entry_jumppad:
0x0: {  	(pc) =	sbr.rel $0x88, $3  }
0x1: {  	(tag) =	ssettag $0x0;
	lr =	simm.s32 $0x1  }
0x2: {  	[smem:$0x3F9D] =	sst lr;
	_ =	strace $0xD0000000  }
0x3: {  	_ = 	snop  }
0x4: {  	_ = 	snop  }
0x5: {  	_ = 	snop  }
0x6: {  	_ = 	snop  }
0x7: {  	_ = 	snop  }
__scs_overlays_trampoline_lowered:
0x8: {  	[smem:$0x3FAC] =	sst s0  }
0x9: {  	[smem:$0x3FAD] =	sst s1  }
0xa: {  	[smem:$0x3FAE] =	sst s2  }
0xb: {  	[smem:$0x3FAF] =	sst s3  }
0xc: {  	[smem:$0x3FB0] =	sst s4  }
0xd: {  	[smem:$0x3FB1] =	sst s5  }
0xe: {  	[smem:$0x3FB2] =	sst s6  }
0xf: {  	[smem:$0x3FB3] =	sst s7  }
0x10: {  	[smem:$0x3FB4] =	sst s8  }
0x11: {  	[smem:$0x3FB5] =	sst s9;
	s0 =	simm.s32 @!p0 $0x0  }
0x12: {  	s1 =	sld [smem:$0x3F9B];
	s0 =	simm.s32 @p0 $0x1  }
0x13: {  	[smem:$0x3FB6] =	sst s0;
	s0 =	simm.s32 @!p1 $0x0  }
0x14: {  	s2 =	sld [smem:$0x3F9A];
	s0 =	simm.s32 @p1 $0x1  }
0x15: {  	[smem:$0x3FB7] =	sst s0;
	s0 =	simm.s32 @!p2 $0x0  }
0x16: {  	s3 =	sld [smem:$0x3FDB];
	s0 =	simm.s32 @p2 $0x1  }
0x17: {  	s4 =	simm.s32 $0x1BF5;
	[smem:$0x3FB9] =	sst s0  }
0x18: {  	s0 =	sld [smem:$0x3F9C];
	_ =	swait.ge [sflag:s4], $0x0  }
0x19: {  	s7 =	sld [smem:$0x3F9D]  }
0x1a: {  	s8 =	sadd.s32 $0xFFFFE003, lr  }
0x1b: {  	s9 =	sadd.s32 $0xFFFFFEF7, lr;
	s5 =	simm.s32 $0xFFFFFFFF;
	p2 =	slt.u32 s8, $0xFFFFF086  }
0x1c: {  	p1 =	slt.u32 s9, $0xF7A;
	s5 =	simm.s32 @!p2 $0x0  }
0x1d: {  	s5 =	simm.s32 @p1 $0x1;
	p0 =	seq.s32 s7, s2  }
0x1e: {  	s7 =	smul.u32 @!p0 $0xF7A, s2;
	p2 =	seq.s32 @!p0 s5, $0x0  }
0x1f: {  	s9 =	smul.u32 $0xF7A, s1;
	s8 =	simm.s32 @!p0 $0x1BF5;
	p2 =	por !p2, p0  }
0x20: {  	[sflag:s8] =	ssyncset.s32 @!p0 $0xFFFFF086;
	s6 =	sadd.s32 @!p0 s3, s7;
	s7 =	simm.s32 @!p0 $0x108  }
0x21: {  	s3 =	sadd.s32 s3, s9;
	s6 =	sadd.s32 @!p0 $0x88, s6;
	s7 =	simm.s32 @p2 $0x1082  }
0x22: {  	[simem:s7], [sflag:s8] =	dma.local @!p0 [hbm:s6], $0xF7A  }
0x23: {  	s9 =	sor.u32 $0xD0000000, s2;
	s6 =	simm.s32 $0x108;
	_ =	swait.ge @!p0 [sflag:s8], $0x0  }
0x24: {  	s3 =	sadd.s32 $0x88, s3;
	s6 =	simm.s32 @!p1 $0x1082;
	[sflag:s4] =	ssyncset.s32 $0xFFFFF086  }
0x25: {  	[simem:s6], [sflag:s4] =	dma.local [hbm:s3], $0xF7A  }
0x26: {  	[smem:$0x3F9D] =	sst s1;
	(tag) =	ssettag s2;
	_ =	strace s9  }
0x27: {  	s1 =	sld [smem:$0x3FAD]  }
0x28: {  	s2 =	sld [smem:$0x3FAE]  }
0x29: {  	s4 =	sld [smem:$0x3FB0]  }
0x2a: {  	p0 =	seq.s32 s5, $0x0;
	s5 =	sld [smem:$0x3FB1]  }
0x2b: {  	s6 =	sld [smem:$0x3FB2]  }
0x2c: {  	s7 =	sld [smem:$0x3FB3]  }
0x2d: {  	s3 =	simm.s32 $0x108;
	s8 =	sld [smem:$0x3FB4]  }
0x2e: {  	s3 =	simm.s32 @!p0 $0x1082;
	s9 =	sld [smem:$0x3FB5]  }
0x2f: {  	lr =	sadd.s32 s0, s3;
	s0 =	sld [smem:$0x3FAC]  }
0x30: {  	s3 =	sld [smem:$0x3FAF]  }
0x31: {  	[smem:$0x3FB8] =	sst s10  }
0x32: {  	s10 =	sld [smem:$0x3FB6];
	_ =	sdelay $0x3  }
0x33: {  	p0 =	seq.s32 s10, $0x1;
	s10 =	sld [smem:$0x3FB8];
	_ =	sdelay $0x3  }
0x34: {  	[smem:$0x3FB8] =	sst s10  }
0x35: {  	s10 =	sld [smem:$0x3FB7];
	_ =	sdelay $0x3  }
0x36: {  	p1 =	seq.s32 s10, $0x1;
	s10 =	sld [smem:$0x3FB8];
	_ =	sdelay $0x3  }
0x37: {  	[smem:$0x3FB8] =	sst s10  }
0x38: {  	s10 =	sld [smem:$0x3FB9]  }
0x39: {  	_ = 	snop;
	(pc) =	sbr.ind lr, $3  }
0x3a: {  	_ = 	snop  }
0x3b: {  	_ = 	snop  }
0x3c: {  	p2 =	seq.s32 s10, $0x1;
	s10 =	sld [smem:$0x3FB8]  }
0x3d: {  	_ =	shalt  }
0x3e: {  	_ =	shalt  }
0x3f: {  	_ =	shalt  }
0x40: {  	_ =	shalt  }
0x41: {  	_ =	shalt  }
0x42: {  	_ =	shalt  }
0x43: {  	_ =	shalt  }
0x44: {  	_ =	shalt  }
0x45: {  	_ =	shalt  }
0x46: {  	_ =	shalt  }
0x47: {  	_ =	shalt  }
0x48: {  	_ =	shalt  }
0x49: {  	_ =	shalt  }
0x4a: {  	_ =	shalt  }
0x4b: {  	_ =	shalt  }
0x4c: {  	_ =	shalt  }
0x4d: {  	_ =	shalt  }
0x4e: {  	_ =	shalt  }
0x4f: {  	_ =	shalt  }
0x50: {  	_ =	shalt  }
0x51: {  	_ =	shalt  }
0x52: {  	_ =	shalt  }
0x53: {  	_ =	shalt  }
0x54: {  	_ =	shalt  }
0x55: {  	_ =	shalt  }
0x56: {  	_ =	shalt  }
0x57: {  	_ =	shalt  }
0x58: {  	_ =	shalt  }
0x59: {  	_ =	shalt  }
0x5a: {  	_ =	shalt  }
0x5b: {  	_ =	shalt  }
0x5c: {  	_ =	shalt  }
0x5d: {  	_ =	shalt  }
0x5e: {  	_ =	shalt  }
0x5f: {  	_ =	shalt  }
0x60: {  	_ =	shalt  }
0x61: {  	_ =	shalt  }
0x62: {  	_ =	shalt  }
0x63: {  	_ =	shalt  }
0x64: {  	_ =	shalt  }
0x65: {  	_ =	shalt  }
0x66: {  	_ =	shalt  }
0x67: {  	_ =	shalt  }
0x68: {  	_ =	shalt  }
0x69: {  	_ =	shalt  }
0x6a: {  	_ =	shalt  }
0x6b: {  	_ =	shalt  }
0x6c: {  	_ =	shalt  }
0x6d: {  	_ =	shalt  }
0x6e: {  	_ =	shalt  }
0x6f: {  	_ =	shalt  }
0x70: {  	_ =	shalt  }
0x71: {  	_ =	shalt  }
0x72: {  	_ =	shalt  }
0x73: {  	_ =	shalt  }
0x74: {  	_ =	shalt  }
0x75: {  	_ =	shalt  }
0x76: {  	_ =	shalt  }
0x77: {  	_ =	shalt  }
0x78: {  	_ =	shalt  }
0x79: {  	_ =	shalt  }
0x7a: {  	_ =	shalt  }
0x7b: {  	_ =	shalt  }
0x7c: {  	_ =	shalt  }
0x7d: {  	_ =	shalt  }
0x7e: {  	_ =	shalt  }
0x7f: {  	_ =	shalt  }
0x80: {  	_ =	shalt  }
0x81: {  	_ =	shalt  }
0x82: {  	_ =	shalt  }
0x83: {  	_ =	shalt  }
0x84: {  	_ =	shalt  }
0x85: {  	_ =	shalt  }
0x86: {  	_ =	shalt  }
0x87: {  	_ =	shalt  }
.Lfunc_end0:
.L_simem_size_0:
called_computation.1_lowered:
.L_overlay_start_0:
0x88: {  	s2 =	sld [smem:$0x3FD9]  }
0x89: {  	s3 =	sld [smem:$0x3FFE];
	_ =	sdelay $0x1  }
0x8a: {  	s1 =	srdreg.scid  }
0x8b: {  	s0 =	sand.u32 $0x1, s1  }
0x8c: {  	s17 =	sshll.u32 s0, $0xA;
	s2 =	sadd.s32 s3, s2  }
0x8d: {  	s2 =	sadd.s32 s2, s17  }
0x8e: {  	[smem:$0x3FC4] =	sst s2  }
0x8f: {  	_ = 	snop  }
0x90: {  	s2 =	sld [smem:$0x3FC9]  }
0x91: {  	s18 =	sld [smem:$0x3FC8]  }
0x92: {  	s4 =	sld [smem:$0x3FC7]  }
0x93: {  	s5 =	sld [smem:$0x3FD0];
	(tm) =	ssettm $0x1  }
0x94: {  	s6 =	sld [smem:$0x3FFB];
	_ =	sdelay $0x3  }
0x95: {  	_ =	strace s6  }
0x96: {  	s6 =	sld [smem:$0x3FFC];
	_ =	sdelay $0x3  }
0x97: {  	_ =	strace s6  }
0x98: {  	s6 =	sld [smem:$0x3FFD];
	_ =	sdelay $0x3  }
0x99: {  	_ =	strace s6  }
0x9a: {  	_ =	strace $0x8FFFFFFF  }
0x9b: {  	s19 =	sld [smem:$0x3FDB];
	_ =	sdelay $0x1  }
0x9c: {  	s7 =	simm.s32 $_scs_section_size  }
0x9d: {  	s8 =	simm.s32 $_size__tile_overlayer_lowered;
	s9 =	simm.s32 $_tile_overlayer_lowered  }
0x9e: {  	s22 =	simm.s32 $0x1BFF;
	s21 =	sshll.u32 s9, $0x1;
	s6 =	sadd.s32 s7, s19  }
0x9f: {  	s10 =	simm.s32 $0x0;
	s20 =	sshll.u32 s8, $0x1;
	s8 =	sadd.s32 s21, s6  }
0xa0: {  	[timem:s10], [sflag:s22] =	dma.local [hbm:s8], s20  }
0xa1: {  	_ =	swait.ge [sflag:s22], s20  }
0xa2: {  	s7 =	ssub.s32 $0x0, s20;
	[sflag:s22] =	ssyncset.done $0x0  }
0xa3: {  	[sflag:s22] =	ssyncadd.s32 s7;
	_ =	sdelay $0x1  }
0xa4: {  	s23 =	simm.s32 $0x1B8B  }
0xa5: {  	_ =	swait.ge [sflag:s23], $0x1  }
0xa6: {  	[sflag:s23] =	ssyncset.done $0x0  }
0xa7: {  	s25 =	simm.s32 $0x1B8E;
	s24 =	sld [smem:$0x3FFE];
	[sflag:s23] =	ssyncadd.s32 $0xFFFFFFFF  }
0xa8: {  	s26 =	simm.s32 $execute0_lowered;
	[smem:$0x3FD2] =	sst s25  }
0xa9: {  	s8 =	sshll.u32 s26, $0x1;
	_ =	strace $0x80000046;
	[dreg:$0x1] =	wrdreg $0xFFFFFFFF  }
0xaa: {  	s28 =	simm.s32 $_size_execute0_lowered;
	s6 =	sadd.s32 s6, s8;
	[dreg:$0x0] =	wrdreg $0x0  }
0xab: {  	s8 =	sshll.u32 s28, $0x1;
	[dreg:$0x2] =	wrdreg s6  }
0xac: {  	[dreg:$0x3] =	wrdreg s8  }
0xad: {  	[dreg:$0x4] =	wrdreg $0xC0  }
0xae: {  	_ =	task [dreg:s10], $0x5FFFF  }
0xaf: {  	[dreg:$0x1] =	wrdreg $0xFFFFFFFF  }
0xb0: {  	[dreg:$0x0] =	wrdreg $0x60  }
0xb1: {  	[dreg:$0x2] =	wrdreg s2  }
0xb2: {  	[dreg:$0x3] =	wrdreg s18  }
0xb3: {  	[dreg:$0x4] =	wrdreg s4  }
0xb4: {  	[dreg:$0x5] =	wrdreg s24  }
0xb5: {  	[dreg:$0x6] =	wrdreg s5  }
0xb6: {  	[dreg:$0x7] =	wrdreg $0x9  }
0xb7: {  	_ =	task.clear_ibuf [dreg:s10], $0x8FFFF;
	_ =	strace $0x90000046  }
0xb8: {  	s29 =	simm.s32 $0x9;
	_ =	strace $0x80000048  }
0xb9: {  	_ =	swait.ge [sflag:s29], $0x1  }
0xba: {  	[sflag:s29] =	ssyncadd.s32 $0xFFFFFFFF  }
0xbb: {  	_ =	strace $0x90000048  }
0xbc: {  	_ =	sfence  }
0xbd: {  	s30 =	sld [smem:$0x0];
	_ =	sdelay $0x2  }
0xbe: {  	s31 =	sshll.u32 s1, $0xD;
	s1 =	sshrl.u32 s1, $0x2  }
0xbf: {  	s3 =	sand.u32 $0x4000, s31;
	s1 =	sadd.s32 s1, s30  }
0xc0: {  	s0 =	sor.u32 s3, s0;
	s1 =	sshll.u32 s1, $0x11  }
0xc1: {  	s0 =	sor.u32 s1, s0  }
0xc2: {  	s0 =	sadd.s32 $0x8F2B, s0  }
0xc3: {  	[sflag:s0] =	ssyncadd.remote.s32 $0x1  }
0xc4: {  	_ =	sfence.sel $0xFFFF  }
0xc5: {  	[dreg:$0x0] =	wrdreg $0xFFFFFFFF;
	(pc) =	sbr.abs _section_cstart, $3  }
0xc6: {  	[dreg:$0x1] =	wrdreg $0xFFFFFFFF  }
0xc7: {  	_ =	task.clear_ibuf [dreg:s10], $0x2FFFF;
	_ =	strace $0x9FFFFFFF  }
0xc8: {  	(tm) =	ssettm $0x7FFFFFFF  }
0xc9: {  	_ =	shalt  }
tec
execute0_lowered:
.L_overlay_start_1:
0x0: {  	(tag) =	ssettag $0x1  }
0x1: {  	s2 =	rddreg [dreg:$0x1]  }
0x2: {  	s3 =	rddreg [dreg:$0x2]  }
0x3: {  	s0 =	rddreg [dreg:$0x3]  }
0x4: {  	s1 =	rddreg [dreg:$0x4];
	s4 =	simm.s32 $0x0;
	s5 =	srdreg.scid  }
0x5: {  	s11 =	stileid.u32;
	s28 =	simm.s32 $0x2A10;
	s29 =	simm.s32 $0x2B90  }
0x6: {  	s30 =	simm.s32 $0x2;
	s31 =	simm.s32 $0x2A90;
	s13 =	simm.s32 $0x6  }
0x7: {  	s15 =	simm.s32 $0x0;
	[smem:$0x7FF] =	sst s4;
	s5 =	sand.u32 $0x1, s5  }
0x8: {  	s6 =	sadd.s32 $0x800, s0;
	s23 =	sshll.u32 s11, $0xA;
	_ =	strace $0x80000047  }
0x9: {  	s8 =	ssub.s32 $0x2, s5;
	s7 =	sshll.u32 s5, $0x4;
	s21 =	sshll.u32 s5, $0xE  }
0xa: {  	s5 =	sshll.u32 s5, $0x8;
	s16 =	sshrl.u32 s8, $0x1;
	s9 =	sor.u32 s11, s7  }
0xb: {  	s7 =	simm.s32 $0x4F;
	s22 =	sadd.s32 s21, s1;
	s11 =	sshll.u32 s11, $0x4  }
0xc: {  	s21 =	simm.s32 $0x2790;
	p0 =	slt.u32 s9, $0x4;
	s10 =	sshll.u32 s9, $0x4  }
0xd: {  	s0 =	ssub.s32 s8, s16;
	s9 =	sshll.u32 s9, $0xA;
	s24 =	sadd.s32 s23, s22  }
0xe: {  	s5 =	sor.u32 s11, s5;
	s22 =	simm.s32 $0x2910;
	s23 =	simm.s32 $0x2810  }
0xf: {  	s11 =	simm.s32 $0x5;
	s7 =	simm.s32 @!p0 $0x4E;
	s17 =	sor.u32 $0x200, s10  }
0x10: {  	s12 =	sadd.s32 s2, s10;
	s18 =	sadd.s32 s3, s10;
	s20 =	sor.u32 $0x400, s10  }
0x11: {  	s9 =	sor.u32 $0x270000, s9;
	s0 =	smax.u32 s0, $0x1;
	[dreg:$0x6] =	wrdreg s12  }
0x12: {  	s25 =	sadd.s32 $0x10000, s24;
	s26 =	sor.u32 $0xA00, s5;
	[dreg:$0x7] =	wrdreg s18  }
0x13: {  	s24 =	simm.s32 $0x2990;
	s5 =	simm.s32 $0x3;
	[dreg:$0xd] =	wrdreg s0  }
0x14: {  	s19 =	sadd.s32 s2, s17;
	s8 =	sadd.s32 s3, s17;
	[dreg:$0xe] =	wrdreg s25  }
0x15: {  	s10 =	sadd.s32 s2, s20;
	s9 =	simm.s32 @!p0 $0x0;
	[dreg:$0xf] =	wrdreg s26  }
0x16: {  	s25 =	simm.s32 $0x1;
	s26 =	simm.s32 $0x80;
	[dreg:$0x8] =	wrdreg s19  }
.Ltmp0:
0x17: {  	s0 =	simm.s32 $0x4B90;
	[dreg:$0x9] =	wrdreg s8;
	(pc) =	sbr.rel .LBB2_1-.Ltmp0, $4  }
0x18: {  	s12 =	simm.s32 $0x8;
	[dreg:$0xa] =	wrdreg s10;
	s8 =	sadd.s32 s3, s20  }
0x19: {  	s1 =	sadd.s32 s1, s9;
	s19 =	simm.s32 $0x2710;
	s20 =	simm.s32 $0x2890  }
0x1a: {  	s9 =	simm.s32 $0x4;
	s10 =	simm.s32 $0x7;
	[dreg:$0xb] =	wrdreg s8  }
0x1b: {  	[dreg:$0xc] =	wrdreg s1;
	s1 =	simm.s32 $0x2B10;
	s8 =	simm.s32 $0x6B90  }
.LBB2_4:
0x1c: {  	_ =	swait.ge [sflag:s9], $0x2000  }
0x1d: {  	[sflag:s9] =	ssyncset.done $0x0  }
0x1e: {  	s14 =	rddreg [dreg:$0xc];
	[sflag:s9] =	ssyncadd.s32 $0xFFFFE000  }
0x1f: {  	[hbm4b:s14+s4] =	stream.linear.scatter [tilespmem:s29], [sflag:$0x7], $0x2000, $0x38;
	[tilespmem:$0x8B90] =	vst v63  }
0x20: {  	_ =	swait.ge [sflag:s11], $0x2000  }
0x21: {  	[sflag:s11] =	ssyncset.done $0x0  }
0x22: {  	s17 =	simm.s32 $0x9;
	[sflag:s11] =	ssyncadd.s32 $0xFFFFE000  }
0x23: {  	_ =	swait.ge [sflag:s17], $0x2000  }
0x24: {  	[sflag:s17] =	ssyncset.done $0x0  }
0x25: {  	[sflag:s17] =	ssyncadd.s32 $0xFFFFE000  }
0x26: {  	_ =	swait.ge [sflag:s10], $0x2000  }
0x27: {  	s15 =	rddreg [dreg:$0x10]  }
0x28: {  	s18 =	rddreg [dreg:$0xd];
	s15 =	sadd.s32 $0x1, s15  }
0x29: {  	p0 =	sne.s32 s15, s18  }
.Ltmp1:
0x2a: {  	_ = 	snop;
	(pc) =	sbr.rel @!p0 .LBB2_5-.Ltmp1, $3  }
0x2b: {  	_ =	sdelay $0x1  }
0x2c: {  	[sflag:s10] =	ssyncset.done $0x0  }
0x2d: {  	[sflag:s10] =	ssyncadd.s32 $0xFFFFE000  }
.LBB2_1:
0x2e: {  	[dreg:$0x10] =	wrdreg s15  }
0x2f: {  	s14 =	rddreg [dreg:$0x0];
	s16 =	simm.s32 $0xA  }
0x30: {  	[tilespmem:s4], [sflag:$0xA] =	stream.linear.gather [hbm4b:s14+s4], $0x2710, $0x38;
	[tilespmem:$0x8B90] =	vst v63  }
0x31: {  	_ =	swait.ge [sflag:s16], $0x2710  }
0x32: {  	[sflag:s16] =	ssyncset.done $0x0  }
0x33: {  	s17 =	rddreg [dreg:$0x6];
	[sflag:s16] =	ssyncadd.s32 $0xFFFFD8F0  }
0x34: {  	[tilespmem:s19], [sflag:$0x1] =	stream.linear.gather [hbm4b:s17+s4], $0x80, $0x38;
	[tilespmem:$0x8B90] =	vst v63  }
0x35: {  	s18 =	rddreg [dreg:$0x7]  }
0x36: {  	[tilespmem:s20], [sflag:$0x1] =	stream.linear.gather [hbm4b:s18+s4], $0x80, $0x38;
	[tilespmem:$0x8B90] =	vst v63  }
0x37: {  	s15 =	rddreg [dreg:$0x8]  }
0x38: {  	[tilespmem:s21], [sflag:$0x2] =	stream.linear.gather [hbm4b:s15+s4], $0x80, $0x38;
	[tilespmem:$0x8B90] =	vst v63  }
0x39: {  	s16 =	rddreg [dreg:$0x9]  }
0x3a: {  	[tilespmem:s22], [sflag:$0x2] =	stream.linear.gather [hbm4b:s16+s4], $0x80, $0x38;
	[tilespmem:$0x8B90] =	vst v63  }
0x3b: {  	s17 =	rddreg [dreg:$0xa]  }
0x3c: {  	[tilespmem:s23], [sflag:$0x3] =	stream.linear.gather [hbm4b:s17+s4], $0x80, $0x38;
	[tilespmem:$0x8B90] =	vst v63  }
0x3d: {  	s18 =	rddreg [dreg:$0xb]  }
0x3e: {  	[tilespmem:s24], [sflag:$0x3] =	stream.linear.gather [hbm4b:s18+s4], $0x80, $0x38;
	[tilespmem:$0x8B90] =	vst v63  }
0x3f: {  	_ =	swait.ge [sflag:s25], $0x80  }
0x40: {  	[sflag:s25] =	ssyncset.done $0x0  }
0x41: {  	[sflag:s25] =	ssyncadd.s32 $0xFFFFFF80  }
0x42: {  	_ =	swait.ge [sflag:s25], $0x80  }
0x43: {  	[sflag:s25] =	ssyncset.done $0x0  }
0x44: {  	[sflag:s25] =	ssyncadd.s32 $0xFFFFFF80  }
0x45: {  	v0 =	vld [tilespmem:$0x2710]  }
0x46: {  	v1 =	vld [tilespmem:$0x2890];
	_ =	sdelay $0x6  }
0x47: {  	v0 =	vld.idx.msk [tilespmem:v0+s4+$0x0], $0xffff  }
0x48: {  	v1 =	vld.idx.msk [tilespmem:v1+s4+$0x0], $0xffff;
	_ =	sdelay $0x1  }
0x49: {  	v2 =	vld [tilespmem:$0x2720]  }
0x4a: {  	v3 =	vld [tilespmem:$0x28A0];
	_ =	sdelay $0x1  }
0x4b: {  	v4 =	vsub.s32 v0, v1  }
0x4c: {  	v0 =	vmul.u32 v0, v1;
	v49 =	vsub.s32 $0x0, v4  }
0x4d: {  	v1 =	vmin.u32 v4, v49  }
0x4e: {  	v0 =	vadd.s32 v0, v1  }
0x4f: {  	[tilespmem:$0x2A10] =	vst v0  }
0x50: {  	v0 =	vld.idx.msk [tilespmem:v2+s4+$0x0], $0xffff  }
0x51: {  	v50 =	vld.idx.msk [tilespmem:v3+s4+$0x0], $0xffff;
	_ =	sdelay $0x1  }
0x52: {  	v51 =	vld [tilespmem:$0x2730]  }
0x53: {  	v52 =	vld [tilespmem:$0x28B0];
	_ =	sdelay $0x1  }
0x54: {  	v53 =	vsub.s32 v0, v50  }
0x55: {  	v0 =	vmul.u32 v0, v50;
	v54 =	vsub.s32 $0x0, v53  }
0x56: {  	v1 =	vmin.u32 v53, v54  }
0x57: {  	v0 =	vadd.s32 v0, v1  }
0x58: {  	[tilespmem:$0x2A20] =	vst v0  }
0x59: {  	v0 =	vld.idx.msk [tilespmem:v51+s4+$0x0], $0xffff  }
0x5a: {  	v55 =	vld.idx.msk [tilespmem:v52+s4+$0x0], $0xffff;
	_ =	sdelay $0x1  }
0x5b: {  	v56 =	vld [tilespmem:$0x2740]  }
0x5c: {  	v57 =	vld [tilespmem:$0x28C0];
	_ =	sdelay $0x1  }
0x5d: {  	v58 =	vsub.s32 v0, v55  }
0x5e: {  	v0 =	vmul.u32 v0, v55;
	v59 =	vsub.s32 $0x0, v58  }
0x5f: {  	v1 =	vmin.u32 v58, v59  }
0x60: {  	v0 =	vadd.s32 v0, v1  }
0x61: {  	[tilespmem:$0x2A30] =	vst v0  }
0x62: {  	v0 =	vld.idx.msk [tilespmem:v56+s4+$0x0], $0xffff  }
0x63: {  	v60 =	vld.idx.msk [tilespmem:v57+s4+$0x0], $0xffff;
	_ =	sdelay $0x1  }
0x64: {  	v61 =	vld [tilespmem:$0x2750]  }
0x65: {  	v62 =	vld [tilespmem:$0x28D0];
	_ =	sdelay $0x1  }
0x66: {  	v63 =	vsub.s32 v0, v60  }
0x67: {  	v0 =	vmul.u32 v0, v60;
	v8 =	vsub.s32 $0x0, v63  }
0x68: {  	v1 =	vmin.u32 v63, v8  }
0x69: {  	v0 =	vadd.s32 v0, v1  }
0x6a: {  	[tilespmem:$0x2A40] =	vst v0  }
0x6b: {  	v0 =	vld.idx.msk [tilespmem:v61+s4+$0x0], $0xffff  }
0x6c: {  	v9 =	vld.idx.msk [tilespmem:v62+s4+$0x0], $0xffff;
	_ =	sdelay $0x1  }
0x6d: {  	v10 =	vld [tilespmem:$0x2760]  }
0x6e: {  	v11 =	vld [tilespmem:$0x28E0];
	_ =	sdelay $0x1  }
0x6f: {  	v12 =	vsub.s32 v0, v9  }
0x70: {  	v0 =	vmul.u32 v0, v9;
	v13 =	vsub.s32 $0x0, v12  }
0x71: {  	v1 =	vmin.u32 v12, v13  }
0x72: {  	v0 =	vadd.s32 v0, v1  }
0x73: {  	[tilespmem:$0x2A50] =	vst v0  }
0x74: {  	v0 =	vld.idx.msk [tilespmem:v10+s4+$0x0], $0xffff  }
0x75: {  	v14 =	vld.idx.msk [tilespmem:v11+s4+$0x0], $0xffff;
	_ =	sdelay $0x1  }
0x76: {  	v15 =	vld [tilespmem:$0x2770]  }
0x77: {  	v16 =	vld [tilespmem:$0x28F0];
	_ =	sdelay $0x1  }
0x78: {  	v17 =	vsub.s32 v0, v14  }
0x79: {  	v0 =	vmul.u32 v0, v14;
	v18 =	vsub.s32 $0x0, v17  }
0x7a: {  	v1 =	vmin.u32 v17, v18  }
0x7b: {  	v0 =	vadd.s32 v0, v1  }
0x7c: {  	[tilespmem:$0x2A60] =	vst v0  }
0x7d: {  	v0 =	vld.idx.msk [tilespmem:v15+s4+$0x0], $0xffff  }
0x7e: {  	v19 =	vld.idx.msk [tilespmem:v16+s4+$0x0], $0xffff;
	_ =	sdelay $0x1  }
0x7f: {  	v20 =	vld [tilespmem:$0x2780]  }
0x80: {  	v21 =	vld [tilespmem:$0x2900];
	_ =	sdelay $0x1  }
0x81: {  	v22 =	vsub.s32 v0, v19  }
0x82: {  	v0 =	vmul.u32 v0, v19;
	v23 =	vsub.s32 $0x0, v22  }
0x83: {  	v1 =	vmin.u32 v22, v23  }
0x84: {  	v0 =	vadd.s32 v0, v1  }
0x85: {  	[tilespmem:$0x2A70] =	vst v0  }
0x86: {  	v0 =	vld.idx.msk [tilespmem:v20+s4+$0x0], $0xffff  }
0x87: {  	v24 =	vld.idx.msk [tilespmem:v21+s4+$0x0], $0xffff;
	_ =	sdelay $0x4  }
0x88: {  	v2 =	vsub.s32 v0, v24  }
0x89: {  	v0 =	vmul.u32 v0, v24;
	v25 =	vsub.s32 $0x0, v2  }
0x8a: {  	v1 =	vmin.u32 v2, v25  }
0x8b: {  	v0 =	vadd.s32 v0, v1  }
0x8c: {  	[tilespmem:$0x2A80] =	vst v0  }
0x8d: {  	[tilespmem:s29], [sflag:$0x4] =	stream.indirect.gather [hbm4b:s6+s26], $0x40, s28, s26, $0xb8;
	[tilespmem:$0x8B90] =	vst v63  }
0x8e: {  	_ =	swait.ge [sflag:s30], $0x80  }
0x8f: {  	[sflag:s30] =	ssyncset.done $0x0  }
0x90: {  	[sflag:s30] =	ssyncadd.s32 $0xFFFFFF80  }
0x91: {  	_ =	swait.ge [sflag:s30], $0x80  }
0x92: {  	[sflag:s30] =	ssyncset.done $0x0  }
0x93: {  	[sflag:s30] =	ssyncadd.s32 $0xFFFFFF80  }
0x94: {  	v26 =	vld [tilespmem:$0x2790]  }
0x95: {  	v27 =	vld [tilespmem:$0x2910];
	_ =	sdelay $0x6  }
0x96: {  	v0 =	vld.idx.msk [tilespmem:v26+s4+$0x0], $0xffff  }
0x97: {  	v1 =	vld.idx.msk [tilespmem:v27+s4+$0x0], $0xffff;
	_ =	sdelay $0x1  }
0x98: {  	v28 =	vld [tilespmem:$0x27A0]  }
0x99: {  	v29 =	vld [tilespmem:$0x2920];
	_ =	sdelay $0x1  }
0x9a: {  	v30 =	vsub.s32 v0, v1  }
0x9b: {  	v0 =	vmul.u32 v0, v1;
	v31 =	vsub.s32 $0x0, v30  }
0x9c: {  	v1 =	vmin.u32 v30, v31  }
0x9d: {  	v0 =	vadd.s32 v0, v1  }
0x9e: {  	[tilespmem:$0x2A90] =	vst v0  }
0x9f: {  	v0 =	vld.idx.msk [tilespmem:v28+s4+$0x0], $0xffff  }
0xa0: {  	v32 =	vld.idx.msk [tilespmem:v29+s4+$0x0], $0xffff;
	_ =	sdelay $0x1  }
0xa1: {  	v33 =	vld [tilespmem:$0x27B0]  }
0xa2: {  	v34 =	vld [tilespmem:$0x2930];
	_ =	sdelay $0x1  }
0xa3: {  	v35 =	vsub.s32 v0, v32  }
0xa4: {  	v0 =	vmul.u32 v0, v32;
	v36 =	vsub.s32 $0x0, v35  }
0xa5: {  	v1 =	vmin.u32 v35, v36  }
0xa6: {  	v0 =	vadd.s32 v0, v1  }
0xa7: {  	[tilespmem:$0x2AA0] =	vst v0  }
0xa8: {  	v0 =	vld.idx.msk [tilespmem:v33+s4+$0x0], $0xffff  }
0xa9: {  	v37 =	vld.idx.msk [tilespmem:v34+s4+$0x0], $0xffff;
	_ =	sdelay $0x1  }
0xaa: {  	v38 =	vld [tilespmem:$0x27C0]  }
0xab: {  	v39 =	vld [tilespmem:$0x2940];
	_ =	sdelay $0x1  }
0xac: {  	v40 =	vsub.s32 v0, v37  }
0xad: {  	v0 =	vmul.u32 v0, v37;
	v41 =	vsub.s32 $0x0, v40  }
0xae: {  	v1 =	vmin.u32 v40, v41  }
0xaf: {  	v0 =	vadd.s32 v0, v1  }
0xb0: {  	[tilespmem:$0x2AB0] =	vst v0  }
0xb1: {  	v0 =	vld.idx.msk [tilespmem:v38+s4+$0x0], $0xffff  }
0xb2: {  	v42 =	vld.idx.msk [tilespmem:v39+s4+$0x0], $0xffff;
	_ =	sdelay $0x1  }
0xb3: {  	v43 =	vld [tilespmem:$0x27D0]  }
0xb4: {  	v44 =	vld [tilespmem:$0x2950];
	_ =	sdelay $0x1  }
0xb5: {  	v45 =	vsub.s32 v0, v42  }
0xb6: {  	v0 =	vmul.u32 v0, v42;
	v46 =	vsub.s32 $0x0, v45  }
0xb7: {  	v1 =	vmin.u32 v45, v46  }
0xb8: {  	v0 =	vadd.s32 v0, v1  }
0xb9: {  	[tilespmem:$0x2AC0] =	vst v0  }
0xba: {  	v0 =	vld.idx.msk [tilespmem:v43+s4+$0x0], $0xffff  }
0xbb: {  	v47 =	vld.idx.msk [tilespmem:v44+s4+$0x0], $0xffff;
	_ =	sdelay $0x1  }
0xbc: {  	v48 =	vld [tilespmem:$0x27E0]  }
0xbd: {  	v49 =	vld [tilespmem:$0x2960];
	_ =	sdelay $0x1  }
0xbe: {  	v50 =	vsub.s32 v0, v47  }
0xbf: {  	v0 =	vmul.u32 v0, v47;
	v51 =	vsub.s32 $0x0, v50  }
0xc0: {  	v1 =	vmin.u32 v50, v51  }
0xc1: {  	v0 =	vadd.s32 v0, v1  }
0xc2: {  	[tilespmem:$0x2AD0] =	vst v0  }
0xc3: {  	v0 =	vld.idx.msk [tilespmem:v48+s4+$0x0], $0xffff  }
0xc4: {  	v52 =	vld.idx.msk [tilespmem:v49+s4+$0x0], $0xffff;
	_ =	sdelay $0x1  }
0xc5: {  	v53 =	vld [tilespmem:$0x27F0]  }
0xc6: {  	v54 =	vld [tilespmem:$0x2970];
	_ =	sdelay $0x1  }
0xc7: {  	v55 =	vsub.s32 v0, v52  }
0xc8: {  	v0 =	vmul.u32 v0, v52;
	v56 =	vsub.s32 $0x0, v55  }
0xc9: {  	v1 =	vmin.u32 v55, v56  }
0xca: {  	v0 =	vadd.s32 v0, v1  }
0xcb: {  	[tilespmem:$0x2AE0] =	vst v0  }
0xcc: {  	v0 =	vld.idx.msk [tilespmem:v53+s4+$0x0], $0xffff  }
0xcd: {  	v57 =	vld.idx.msk [tilespmem:v54+s4+$0x0], $0xffff;
	_ =	sdelay $0x1  }
0xce: {  	v58 =	vld [tilespmem:$0x2800]  }
0xcf: {  	v59 =	vld [tilespmem:$0x2980];
	_ =	sdelay $0x1  }
0xd0: {  	v60 =	vsub.s32 v0, v57  }
0xd1: {  	v0 =	vmul.u32 v0, v57;
	v61 =	vsub.s32 $0x0, v60  }
0xd2: {  	v1 =	vmin.u32 v60, v61  }
0xd3: {  	v0 =	vadd.s32 v0, v1  }
0xd4: {  	[tilespmem:$0x2AF0] =	vst v0  }
0xd5: {  	v0 =	vld.idx.msk [tilespmem:v58+s4+$0x0], $0xffff  }
0xd6: {  	v62 =	vld.idx.msk [tilespmem:v59+s4+$0x0], $0xffff;
	_ =	sdelay $0x4  }
0xd7: {  	v2 =	vsub.s32 v0, v62  }
0xd8: {  	v0 =	vmul.u32 v0, v62;
	v63 =	vsub.s32 $0x0, v2  }
0xd9: {  	v1 =	vmin.u32 v2, v63  }
0xda: {  	s18 =	rddreg [dreg:$0xf];
	v0 =	vadd.s32 v0, v1  }
0xdb: {  	s16 =	simm.s32 $0x5;
	s17 =	rddreg [dreg:$0xe];
	[tilespmem:$0x2B00] =	vst v0  }
0xdc: {  	[tilespmem:s0], [sflag:$0x5] =	stream.indirect.gather [hbm4b:s6+s26], $0x40, s31, s26, $0xb8;
	[tilespmem:$0x8B90] =	vst v63  }
.LBB2_2:
0xdd: {  	_ =	swait.ge [sflag:s5], $0x80  }
0xde: {  	[sflag:s5] =	ssyncset.done $0x0  }
0xdf: {  	[sflag:s5] =	ssyncadd.s32 $0xFFFFFF80  }
0xe0: {  	_ =	swait.ge [sflag:s5], $0x80  }
0xe1: {  	[sflag:s5] =	ssyncset.done $0x0  }
0xe2: {  	[sflag:s5] =	ssyncadd.s32 $0xFFFFFF80  }
0xe3: {  	v0 =	vld [tilespmem:$0x2810]  }
0xe4: {  	v1 =	vld [tilespmem:$0x2990];
	_ =	sdelay $0x6  }
0xe5: {  	v0 =	vld.idx.msk [tilespmem:v0+s4+$0x0], $0xffff  }
0xe6: {  	v1 =	vld.idx.msk [tilespmem:v1+s4+$0x0], $0xffff;
	_ =	sdelay $0x1  }
0xe7: {  	v2 =	vld [tilespmem:$0x2820]  }
0xe8: {  	v3 =	vld [tilespmem:$0x29A0];
	_ =	sdelay $0x1  }
0xe9: {  	v4 =	vsub.s32 v0, v1  }
0xea: {  	v0 =	vmul.u32 v0, v1;
	v11 =	vsub.s32 $0x0, v4  }
0xeb: {  	v1 =	vmin.u32 v4, v11  }
0xec: {  	v0 =	vadd.s32 v0, v1  }
0xed: {  	[tilespmem:$0x2B10] =	vst v0  }
0xee: {  	v0 =	vld.idx.msk [tilespmem:v2+s4+$0x0], $0xffff  }
0xef: {  	v12 =	vld.idx.msk [tilespmem:v3+s4+$0x0], $0xffff;
	_ =	sdelay $0x1  }
0xf0: {  	v13 =	vld [tilespmem:$0x2830]  }
0xf1: {  	v14 =	vld [tilespmem:$0x29B0];
	_ =	sdelay $0x1  }
0xf2: {  	v15 =	vsub.s32 v0, v12  }
0xf3: {  	v0 =	vmul.u32 v0, v12;
	v16 =	vsub.s32 $0x0, v15  }
0xf4: {  	v1 =	vmin.u32 v15, v16  }
0xf5: {  	v0 =	vadd.s32 v0, v1  }
0xf6: {  	[tilespmem:$0x2B20] =	vst v0  }
0xf7: {  	v0 =	vld.idx.msk [tilespmem:v13+s4+$0x0], $0xffff  }
0xf8: {  	v17 =	vld.idx.msk [tilespmem:v14+s4+$0x0], $0xffff;
	_ =	sdelay $0x1  }
0xf9: {  	v18 =	vld [tilespmem:$0x2840]  }
0xfa: {  	v19 =	vld [tilespmem:$0x29C0];
	_ =	sdelay $0x1  }
0xfb: {  	v20 =	vsub.s32 v0, v17  }
0xfc: {  	v0 =	vmul.u32 v0, v17;
	v21 =	vsub.s32 $0x0, v20  }
0xfd: {  	v1 =	vmin.u32 v20, v21  }
0xfe: {  	v0 =	vadd.s32 v0, v1  }
0xff: {  	[tilespmem:$0x2B30] =	vst v0  }
0x100: {  	v0 =	vld.idx.msk [tilespmem:v18+s4+$0x0], $0xffff  }
0x101: {  	v22 =	vld.idx.msk [tilespmem:v19+s4+$0x0], $0xffff;
	_ =	sdelay $0x1  }
0x102: {  	v23 =	vld [tilespmem:$0x2850]  }
0x103: {  	v24 =	vld [tilespmem:$0x29D0];
	_ =	sdelay $0x1  }
0x104: {  	v25 =	vsub.s32 v0, v22  }
0x105: {  	v0 =	vmul.u32 v0, v22;
	v26 =	vsub.s32 $0x0, v25  }
0x106: {  	v1 =	vmin.u32 v25, v26  }
0x107: {  	v0 =	vadd.s32 v0, v1  }
0x108: {  	[tilespmem:$0x2B40] =	vst v0  }
0x109: {  	v0 =	vld.idx.msk [tilespmem:v23+s4+$0x0], $0xffff  }
0x10a: {  	v27 =	vld.idx.msk [tilespmem:v24+s4+$0x0], $0xffff;
	_ =	sdelay $0x1  }
0x10b: {  	v28 =	vld [tilespmem:$0x2860]  }
0x10c: {  	v29 =	vld [tilespmem:$0x29E0];
	_ =	sdelay $0x1  }
0x10d: {  	v30 =	vsub.s32 v0, v27  }
0x10e: {  	v0 =	vmul.u32 v0, v27;
	v31 =	vsub.s32 $0x0, v30  }
0x10f: {  	v1 =	vmin.u32 v30, v31  }
0x110: {  	v0 =	vadd.s32 v0, v1  }
0x111: {  	[tilespmem:$0x2B50] =	vst v0  }
0x112: {  	v0 =	vld.idx.msk [tilespmem:v28+s4+$0x0], $0xffff  }
0x113: {  	v32 =	vld.idx.msk [tilespmem:v29+s4+$0x0], $0xffff;
	_ =	sdelay $0x1  }
0x114: {  	v33 =	vld [tilespmem:$0x2870]  }
0x115: {  	v34 =	vld [tilespmem:$0x29F0];
	_ =	sdelay $0x1  }
0x116: {  	v35 =	vsub.s32 v0, v32  }
0x117: {  	v0 =	vmul.u32 v0, v32;
	v36 =	vsub.s32 $0x0, v35  }
0x118: {  	v1 =	vmin.u32 v35, v36  }
0x119: {  	v0 =	vadd.s32 v0, v1  }
0x11a: {  	[tilespmem:$0x2B60] =	vst v0  }
0x11b: {  	v0 =	vld.idx.msk [tilespmem:v33+s4+$0x0], $0xffff  }
0x11c: {  	v37 =	vld.idx.msk [tilespmem:v34+s4+$0x0], $0xffff;
	_ =	sdelay $0x1  }
0x11d: {  	v38 =	vld [tilespmem:$0x2880]  }
0x11e: {  	v39 =	vld [tilespmem:$0x2A00];
	_ =	sdelay $0x1  }
0x11f: {  	v40 =	vsub.s32 v0, v37  }
0x120: {  	v0 =	vmul.u32 v0, v37;
	v41 =	vsub.s32 $0x0, v40  }
0x121: {  	v1 =	vmin.u32 v40, v41  }
0x122: {  	v0 =	vadd.s32 v0, v1  }
0x123: {  	[tilespmem:$0x2B70] =	vst v0  }
0x124: {  	v0 =	vld.idx.msk [tilespmem:v38+s4+$0x0], $0xffff  }
0x125: {  	v42 =	vld.idx.msk [tilespmem:v39+s4+$0x0], $0xffff;
	_ =	sdelay $0x4  }
0x126: {  	v2 =	vsub.s32 v0, v42  }
0x127: {  	v0 =	vmul.u32 v0, v42;
	v43 =	vsub.s32 $0x0, v2  }
0x128: {  	v1 =	vmin.u32 v2, v43  }
0x129: {  	p0 =	seq.s32 s16, $0x5;
	v0 =	vadd.s32 v0, v1  }
0x12a: {  	s14 =	simm.s32 @!p0 $0x9;
	[tilespmem:$0x2B80] =	vst v0  }
0x12b: {  	_ =	swait.ge @!p0 [sflag:s14], $0x2000  }
0x12c: {  	[sflag:s14] =	ssyncset.done @!p0 $0x0  }
0x12d: {  	[sflag:s14] =	ssyncadd.s32 @!p0 $0xFFFFE000  }
0x12e: {  	[tilespmem:s8], [sflag:$0x6] =	stream.indirect.gather [hbm4b:s6+s26], $0x40, s1, s26, $0xb8;
	[tilespmem:$0x8B90] =	vst v63  }
0x12f: {  	_ =	swait.ge [sflag:s9], $0x2000  }
0x130: {  	[sflag:s9] =	ssyncset.done $0x0  }
0x131: {  	s15 =	sadd.s32 $0xFFFF0000, s17;
	s14 =	sadd.s32 $0xFFFFFFFE, s16;
	[sflag:s9] =	ssyncadd.s32 $0xFFFFE000  }
0x132: {  	[hbm4b:s15+s4] =	stream.linear.scatter [tilespmem:s29], [sflag:$0x7], $0x2000, $0x38;
	[tilespmem:$0x8B90] =	vst v63  }
0x133: {  	p0 =	slt.u32 s14, s7;
	s15 =	sadd.s32 $0xFFFFFC00, s18  }
0x134: {  	s15 =	simm.s32 @!p0 $0x0  }
0x135: {  	s14 =	sadd.s32 s2, s15  }
0x136: {  	[tilespmem:s19], [sflag:$0x1] =	stream.linear.gather [hbm4b:s14+s4], $0x80, $0x38;
	[tilespmem:$0x8B90] =	vst v63  }
0x137: {  	s15 =	sadd.s32 s3, s15  }
0x138: {  	[tilespmem:s20], [sflag:$0x1] =	stream.linear.gather [hbm4b:s15+s4], $0x80, $0x38;
	[tilespmem:$0x8B90] =	vst v63  }
0x139: {  	_ =	swait.ge [sflag:s25], $0x80  }
0x13a: {  	[sflag:s25] =	ssyncset.done $0x0  }
0x13b: {  	[sflag:s25] =	ssyncadd.s32 $0xFFFFFF80  }
0x13c: {  	_ =	swait.ge [sflag:s25], $0x80  }
0x13d: {  	[sflag:s25] =	ssyncset.done $0x0  }
0x13e: {  	[sflag:s25] =	ssyncadd.s32 $0xFFFFFF80  }
0x13f: {  	v44 =	vld [tilespmem:$0x2710]  }
0x140: {  	v45 =	vld [tilespmem:$0x2890];
	_ =	sdelay $0x6  }
0x141: {  	v0 =	vld.idx.msk [tilespmem:v44+s4+$0x0], $0xffff  }
0x142: {  	v1 =	vld.idx.msk [tilespmem:v45+s4+$0x0], $0xffff;
	_ =	sdelay $0x1  }
0x143: {  	v46 =	vld [tilespmem:$0x2720]  }
0x144: {  	v47 =	vld [tilespmem:$0x28A0];
	_ =	sdelay $0x1  }
0x145: {  	v48 =	vsub.s32 v0, v1  }
0x146: {  	v0 =	vmul.u32 v0, v1;
	v49 =	vsub.s32 $0x0, v48  }
0x147: {  	v1 =	vmin.u32 v48, v49  }
0x148: {  	v0 =	vadd.s32 v0, v1  }
0x149: {  	[tilespmem:$0x2A10] =	vst v0  }
0x14a: {  	v0 =	vld.idx.msk [tilespmem:v46+s4+$0x0], $0xffff  }
0x14b: {  	v50 =	vld.idx.msk [tilespmem:v47+s4+$0x0], $0xffff;
	_ =	sdelay $0x1  }
0x14c: {  	v51 =	vld [tilespmem:$0x2730]  }
0x14d: {  	v52 =	vld [tilespmem:$0x28B0];
	_ =	sdelay $0x1  }
0x14e: {  	v53 =	vsub.s32 v0, v50  }
0x14f: {  	v0 =	vmul.u32 v0, v50;
	v54 =	vsub.s32 $0x0, v53  }
0x150: {  	v1 =	vmin.u32 v53, v54  }
0x151: {  	v0 =	vadd.s32 v0, v1  }
0x152: {  	[tilespmem:$0x2A20] =	vst v0  }
0x153: {  	v0 =	vld.idx.msk [tilespmem:v51+s4+$0x0], $0xffff  }
0x154: {  	v55 =	vld.idx.msk [tilespmem:v52+s4+$0x0], $0xffff;
	_ =	sdelay $0x1  }
0x155: {  	v56 =	vld [tilespmem:$0x2740]  }
0x156: {  	v57 =	vld [tilespmem:$0x28C0];
	_ =	sdelay $0x1  }
0x157: {  	v58 =	vsub.s32 v0, v55  }
0x158: {  	v0 =	vmul.u32 v0, v55;
	v59 =	vsub.s32 $0x0, v58  }
0x159: {  	v1 =	vmin.u32 v58, v59  }
0x15a: {  	v0 =	vadd.s32 v0, v1  }
0x15b: {  	[tilespmem:$0x2A30] =	vst v0  }
0x15c: {  	v0 =	vld.idx.msk [tilespmem:v56+s4+$0x0], $0xffff  }
0x15d: {  	v60 =	vld.idx.msk [tilespmem:v57+s4+$0x0], $0xffff;
	_ =	sdelay $0x1  }
0x15e: {  	v61 =	vld [tilespmem:$0x2750]  }
0x15f: {  	v62 =	vld [tilespmem:$0x28D0];
	_ =	sdelay $0x1  }
0x160: {  	v63 =	vsub.s32 v0, v60  }
0x161: {  	v0 =	vmul.u32 v0, v60;
	v8 =	vsub.s32 $0x0, v63  }
0x162: {  	v1 =	vmin.u32 v63, v8  }
0x163: {  	v0 =	vadd.s32 v0, v1  }
0x164: {  	[tilespmem:$0x2A40] =	vst v0  }
0x165: {  	v0 =	vld.idx.msk [tilespmem:v61+s4+$0x0], $0xffff  }
0x166: {  	v9 =	vld.idx.msk [tilespmem:v62+s4+$0x0], $0xffff;
	_ =	sdelay $0x1  }
0x167: {  	v10 =	vld [tilespmem:$0x2760]  }
0x168: {  	v11 =	vld [tilespmem:$0x28E0];
	_ =	sdelay $0x1  }
0x169: {  	v12 =	vsub.s32 v0, v9  }
0x16a: {  	v0 =	vmul.u32 v0, v9;
	v13 =	vsub.s32 $0x0, v12  }
0x16b: {  	v1 =	vmin.u32 v12, v13  }
0x16c: {  	v0 =	vadd.s32 v0, v1  }
0x16d: {  	[tilespmem:$0x2A50] =	vst v0  }
0x16e: {  	v0 =	vld.idx.msk [tilespmem:v10+s4+$0x0], $0xffff  }
0x16f: {  	v14 =	vld.idx.msk [tilespmem:v11+s4+$0x0], $0xffff;
	_ =	sdelay $0x1  }
0x170: {  	v15 =	vld [tilespmem:$0x2770]  }
0x171: {  	v16 =	vld [tilespmem:$0x28F0];
	_ =	sdelay $0x1  }
0x172: {  	v17 =	vsub.s32 v0, v14  }
0x173: {  	v0 =	vmul.u32 v0, v14;
	v18 =	vsub.s32 $0x0, v17  }
0x174: {  	v1 =	vmin.u32 v17, v18  }
0x175: {  	v0 =	vadd.s32 v0, v1  }
0x176: {  	[tilespmem:$0x2A60] =	vst v0  }
0x177: {  	v0 =	vld.idx.msk [tilespmem:v15+s4+$0x0], $0xffff  }
0x178: {  	v19 =	vld.idx.msk [tilespmem:v16+s4+$0x0], $0xffff;
	_ =	sdelay $0x1  }
0x179: {  	v20 =	vld [tilespmem:$0x2780]  }
0x17a: {  	v21 =	vld [tilespmem:$0x2900];
	_ =	sdelay $0x1  }
0x17b: {  	v22 =	vsub.s32 v0, v19  }
0x17c: {  	v0 =	vmul.u32 v0, v19;
	v23 =	vsub.s32 $0x0, v22  }
0x17d: {  	v1 =	vmin.u32 v22, v23  }
0x17e: {  	v0 =	vadd.s32 v0, v1  }
0x17f: {  	[tilespmem:$0x2A70] =	vst v0  }
0x180: {  	v0 =	vld.idx.msk [tilespmem:v20+s4+$0x0], $0xffff  }
0x181: {  	v24 =	vld.idx.msk [tilespmem:v21+s4+$0x0], $0xffff;
	_ =	sdelay $0x4  }
0x182: {  	v2 =	vsub.s32 v0, v24  }
0x183: {  	v0 =	vmul.u32 v0, v24;
	v25 =	vsub.s32 $0x0, v2  }
0x184: {  	v1 =	vmin.u32 v2, v25  }
0x185: {  	v0 =	vadd.s32 v0, v1  }
0x186: {  	[tilespmem:$0x2A80] =	vst v0  }
0x187: {  	_ =	swait.ge [sflag:s10], $0x2000  }
0x188: {  	[sflag:s10] =	ssyncset.done $0x0  }
0x189: {  	[sflag:s10] =	ssyncadd.s32 $0xFFFFE000  }
0x18a: {  	[tilespmem:s29], [sflag:$0x4] =	stream.indirect.gather [hbm4b:s6+s26], $0x40, s28, s26, $0xb8;
	[tilespmem:$0x8B90] =	vst v63  }
0x18b: {  	_ =	swait.ge [sflag:s11], $0x2000  }
0x18c: {  	[sflag:s11] =	ssyncset.done $0x0  }
0x18d: {  	s14 =	sadd.s32 $0xFFFFFFFF, s16;
	s15 =	sadd.s32 $0xFFFF8000, s17;
	[sflag:s11] =	ssyncadd.s32 $0xFFFFE000  }
0x18e: {  	[hbm4b:s15+s4] =	stream.linear.scatter [tilespmem:s0], [sflag:$0x8], $0x2000, $0x38;
	[tilespmem:$0x8B90] =	vst v63  }
0x18f: {  	p0 =	slt.u32 s14, s7;
	s15 =	sadd.s32 $0xFFFFFE00, s18  }
0x190: {  	s15 =	simm.s32 @!p0 $0x0  }
0x191: {  	s14 =	sadd.s32 s2, s15  }
0x192: {  	[tilespmem:s21], [sflag:$0x2] =	stream.linear.gather [hbm4b:s14+s4], $0x80, $0x38;
	[tilespmem:$0x8B90] =	vst v63  }
0x193: {  	s15 =	sadd.s32 s3, s15  }
0x194: {  	[tilespmem:s22], [sflag:$0x2] =	stream.linear.gather [hbm4b:s15+s4], $0x80, $0x38;
	[tilespmem:$0x8B90] =	vst v63  }
0x195: {  	_ =	swait.ge [sflag:s30], $0x80  }
0x196: {  	[sflag:s30] =	ssyncset.done $0x0  }
0x197: {  	[sflag:s30] =	ssyncadd.s32 $0xFFFFFF80  }
0x198: {  	_ =	swait.ge [sflag:s30], $0x80  }
0x199: {  	[sflag:s30] =	ssyncset.done $0x0  }
0x19a: {  	[sflag:s30] =	ssyncadd.s32 $0xFFFFFF80  }
0x19b: {  	v26 =	vld [tilespmem:$0x2790]  }
0x19c: {  	v27 =	vld [tilespmem:$0x2910];
	_ =	sdelay $0x6  }
0x19d: {  	v0 =	vld.idx.msk [tilespmem:v26+s4+$0x0], $0xffff  }
0x19e: {  	v1 =	vld.idx.msk [tilespmem:v27+s4+$0x0], $0xffff;
	_ =	sdelay $0x1  }
0x19f: {  	v28 =	vld [tilespmem:$0x27A0]  }
0x1a0: {  	v29 =	vld [tilespmem:$0x2920];
	_ =	sdelay $0x1  }
0x1a1: {  	v30 =	vsub.s32 v0, v1  }
0x1a2: {  	v0 =	vmul.u32 v0, v1;
	v31 =	vsub.s32 $0x0, v30  }
0x1a3: {  	v1 =	vmin.u32 v30, v31  }
0x1a4: {  	v0 =	vadd.s32 v0, v1  }
0x1a5: {  	[tilespmem:$0x2A90] =	vst v0  }
0x1a6: {  	v0 =	vld.idx.msk [tilespmem:v28+s4+$0x0], $0xffff  }
0x1a7: {  	v32 =	vld.idx.msk [tilespmem:v29+s4+$0x0], $0xffff;
	_ =	sdelay $0x1  }
0x1a8: {  	v33 =	vld [tilespmem:$0x27B0]  }
0x1a9: {  	v34 =	vld [tilespmem:$0x2930];
	_ =	sdelay $0x1  }
0x1aa: {  	v35 =	vsub.s32 v0, v32  }
0x1ab: {  	v0 =	vmul.u32 v0, v32;
	v36 =	vsub.s32 $0x0, v35  }
0x1ac: {  	v1 =	vmin.u32 v35, v36  }
0x1ad: {  	v0 =	vadd.s32 v0, v1  }
0x1ae: {  	[tilespmem:$0x2AA0] =	vst v0  }
0x1af: {  	v0 =	vld.idx.msk [tilespmem:v33+s4+$0x0], $0xffff  }
0x1b0: {  	v37 =	vld.idx.msk [tilespmem:v34+s4+$0x0], $0xffff;
	_ =	sdelay $0x1  }
0x1b1: {  	v38 =	vld [tilespmem:$0x27C0]  }
0x1b2: {  	v39 =	vld [tilespmem:$0x2940];
	_ =	sdelay $0x1  }
0x1b3: {  	v40 =	vsub.s32 v0, v37  }
0x1b4: {  	v0 =	vmul.u32 v0, v37;
	v41 =	vsub.s32 $0x0, v40  }
0x1b5: {  	v1 =	vmin.u32 v40, v41  }
0x1b6: {  	v0 =	vadd.s32 v0, v1  }
0x1b7: {  	[tilespmem:$0x2AB0] =	vst v0  }
0x1b8: {  	v0 =	vld.idx.msk [tilespmem:v38+s4+$0x0], $0xffff  }
0x1b9: {  	v42 =	vld.idx.msk [tilespmem:v39+s4+$0x0], $0xffff;
	_ =	sdelay $0x1  }
0x1ba: {  	v43 =	vld [tilespmem:$0x27D0]  }
0x1bb: {  	v44 =	vld [tilespmem:$0x2950];
	_ =	sdelay $0x1  }
0x1bc: {  	v45 =	vsub.s32 v0, v42  }
0x1bd: {  	v0 =	vmul.u32 v0, v42;
	v46 =	vsub.s32 $0x0, v45  }
0x1be: {  	v1 =	vmin.u32 v45, v46  }
0x1bf: {  	v0 =	vadd.s32 v0, v1  }
0x1c0: {  	[tilespmem:$0x2AC0] =	vst v0  }
0x1c1: {  	v0 =	vld.idx.msk [tilespmem:v43+s4+$0x0], $0xffff  }
0x1c2: {  	v47 =	vld.idx.msk [tilespmem:v44+s4+$0x0], $0xffff;
	_ =	sdelay $0x1  }
0x1c3: {  	v48 =	vld [tilespmem:$0x27E0]  }
0x1c4: {  	v49 =	vld [tilespmem:$0x2960];
	_ =	sdelay $0x1  }
0x1c5: {  	v50 =	vsub.s32 v0, v47  }
0x1c6: {  	v0 =	vmul.u32 v0, v47;
	v51 =	vsub.s32 $0x0, v50  }
0x1c7: {  	v1 =	vmin.u32 v50, v51  }
0x1c8: {  	v0 =	vadd.s32 v0, v1  }
0x1c9: {  	[tilespmem:$0x2AD0] =	vst v0  }
0x1ca: {  	v0 =	vld.idx.msk [tilespmem:v48+s4+$0x0], $0xffff  }
0x1cb: {  	v52 =	vld.idx.msk [tilespmem:v49+s4+$0x0], $0xffff;
	_ =	sdelay $0x1  }
0x1cc: {  	v53 =	vld [tilespmem:$0x27F0]  }
0x1cd: {  	v54 =	vld [tilespmem:$0x2970];
	_ =	sdelay $0x1  }
0x1ce: {  	v55 =	vsub.s32 v0, v52  }
0x1cf: {  	v0 =	vmul.u32 v0, v52;
	v56 =	vsub.s32 $0x0, v55  }
0x1d0: {  	v1 =	vmin.u32 v55, v56  }
0x1d1: {  	v0 =	vadd.s32 v0, v1  }
0x1d2: {  	[tilespmem:$0x2AE0] =	vst v0  }
0x1d3: {  	v0 =	vld.idx.msk [tilespmem:v53+s4+$0x0], $0xffff  }
0x1d4: {  	v57 =	vld.idx.msk [tilespmem:v54+s4+$0x0], $0xffff;
	_ =	sdelay $0x1  }
0x1d5: {  	v58 =	vld [tilespmem:$0x2800]  }
0x1d6: {  	v59 =	vld [tilespmem:$0x2980];
	_ =	sdelay $0x1  }
0x1d7: {  	v60 =	vsub.s32 v0, v57  }
0x1d8: {  	v0 =	vmul.u32 v0, v57;
	v61 =	vsub.s32 $0x0, v60  }
0x1d9: {  	v1 =	vmin.u32 v60, v61  }
0x1da: {  	v0 =	vadd.s32 v0, v1  }
0x1db: {  	[tilespmem:$0x2AF0] =	vst v0  }
0x1dc: {  	v0 =	vld.idx.msk [tilespmem:v58+s4+$0x0], $0xffff  }
0x1dd: {  	v62 =	vld.idx.msk [tilespmem:v59+s4+$0x0], $0xffff;
	_ =	sdelay $0x4  }
0x1de: {  	v2 =	vsub.s32 v0, v62  }
0x1df: {  	v0 =	vmul.u32 v0, v62;
	v63 =	vsub.s32 $0x0, v2  }
0x1e0: {  	v1 =	vmin.u32 v2, v63  }
0x1e1: {  	v0 =	vadd.s32 v0, v1  }
0x1e2: {  	[tilespmem:$0x2B00] =	vst v0  }
0x1e3: {  	_ =	swait.ge [sflag:s12], $0x2000  }
0x1e4: {  	[sflag:s12] =	ssyncset.done $0x0  }
0x1e5: {  	p0 =	seq.s32 s16, $0x50;
	[sflag:s12] =	ssyncadd.s32 $0xFFFFE000  }
0x1e6: {  	[tilespmem:s0], [sflag:$0x5] =	stream.indirect.gather [hbm4b:s6+s26], $0x40, s31, s26, $0xb8;
	[tilespmem:$0x8B90] =	vst v63  }
.Ltmp2:
0x1e7: {  	_ = 	snop;
	(pc) =	sbr.rel @p0 .LBB2_4-.Ltmp2, $4  }
0x1e8: {  	_ =	swait.ge [sflag:s13], $0x2000  }
0x1e9: {  	[sflag:s13] =	ssyncset.done $0x0  }
0x1ea: {  	[sflag:s13] =	ssyncadd.s32 $0xFFFFE000  }
0x1eb: {  	[hbm4b:s17+s4] =	stream.linear.scatter [tilespmem:s8], [sflag:$0x9], $0x2000, $0x38;
	[tilespmem:$0x8B90] =	vst v63  }
0x1ec: {  	p0 =	slt.u32 s16, s7  }
0x1ed: {  	s14 =	sadd.s32 $0x600, s18;
	s18 =	simm.s32 @!p0 $0x0  }
.Ltmp3:
0x1ee: {  	s15 =	sadd.s32 s2, s18;
	(pc) =	sbr.rel .LBB2_2-.Ltmp3, $4  }
0x1ef: {  	[tilespmem:s23], [sflag:$0x3] =	stream.linear.gather [hbm4b:s15+s4], $0x80, $0x38;
	[tilespmem:$0x8B90] =	vst v63  }
0x1f0: {  	s18 =	sadd.s32 s3, s18  }
0x1f1: {  	[tilespmem:s24], [sflag:$0x3] =	stream.linear.gather [hbm4b:s18+s4], $0x80, $0x38;
	[tilespmem:$0x8B90] =	vst v63  }
0x1f2: {  	s17 =	sadd.s32 $0x18000, s17;
	s16 =	sadd.s32 $0x3, s16;
	s18 =	smov.u32 s14  }
.LBB2_5:
0x1f3: {  	_ =	sfence.sel $0x180000  }
0x1f4: {  	[bflag:$0x0] =	sbarrier.arrive $0xFFFF  }
0x1f5: {  	_ =	strace $0x90000047  }
0x1f6: {  	s0 =	stileid.u32;
	[bflag:$0x2] =	sbarrier.arrive $0xFFFF  }
0x1f7: {  	p0 =	sne.s32 s0, $0x0;
	s0 =	rddreg [dreg:$0x5]  }
0x1f8: {  	s0 =	sadd.s32 @!p0 $0x100000, s0  }
0x1f9: {  	[sflag:s0] =	ssyncadd.tile.s32 @!p0 $0x1;
	_ =	shalt  }
.Lfunc_end2:
_tile_overlayer_lowered:
.L_overlay_start_2:
0x1fa: {  	(tag) =	ssettag $0x2  }
0x1fb: {  	s0 =	rddreg [dreg:$0x0];
	s2 =	stileid.u32  }
0x1fc: {  	s1 =	rddreg [dreg:$0x1];
	p0 =	sne.s32 s2, $0x0  }
0x1fd: {  	s3 =	rddreg [dreg:$0x2];
	[bflag:$0x3] =	sbarrier.arrive $0xFFFF;
	s2 =	simm.s32 @!p0 $0x1C0A  }
0x1fe: {  	[timem:s3], [sflag:s2] =	dma.local @!p0 [hbm:s0], s1  }
0x1ff: {  	s0 =	simm.s32 @!p0 $0xA  }
0x200: {  	_ =	swait.ge @!p0 [sflag:s0], s1  }
0x201: {  	s1 =	ssub.s32 @!p0 $0x0, s1;
	[sflag:s0] =	ssyncset.done @!p0 $0x0  }
0x202: {  	[sflag:s0] =	ssyncadd.s32 @!p0 s1  }
0x203: {  	[bflag:$0x3] =	sbarrier.arrive $0xFFFF  }
0x204: {  	_ =	shalt  }

// kernel: sparse-core-data-format-call.cloned.1.call-start
scs
called_computation_lowered:
.L_overlay_start_0:
0x0: {  	s2 =	sld [smem:$0x3FD9]  }
0x1: {  	s3 =	sld [smem:$0x3FFE];
	_ =	sdelay $0x1  }
0x2: {  	s1 =	srdreg.scid  }
0x3: {  	s0 =	sand.u32 $0x1, s1  }
0x4: {  	s18 =	sshll.u32 s0, $0xA;
	s2 =	sadd.s32 s3, s2  }
0x5: {  	s2 =	sadd.s32 s2, s18  }
0x6: {  	[smem:$0x3FC4] =	sst s2  }
0x7: {  	_ = 	snop  }
0x8: {  	s2 =	sld [smem:$0x3FD0];
	(tm) =	ssettm $0x1  }
0x9: {  	s19 =	sld [smem:$0x3FFB];
	_ =	sdelay $0x3  }
0xa: {  	_ =	strace s19  }
0xb: {  	s3 =	sld [smem:$0x3FFC];
	_ =	sdelay $0x3  }
0xc: {  	_ =	strace s3  }
0xd: {  	s3 =	sld [smem:$0x3FFD];
	_ =	sdelay $0x3  }
0xe: {  	_ =	strace s3  }
0xf: {  	_ =	strace $0x8FFFFFFF  }
0x10: {  	s20 =	sld [smem:$0x3FDB];
	_ =	sdelay $0x1  }
0x11: {  	s4 =	simm.s32 $_scs_section_size  }
0x12: {  	s5 =	simm.s32 $_size__tile_overlayer_lowered;
	s6 =	simm.s32 $_tile_overlayer_lowered  }
0x13: {  	s23 =	simm.s32 $0x1BFF;
	s22 =	sshll.u32 s6, $0x1;
	s3 =	sadd.s32 s4, s20  }
0x14: {  	s7 =	simm.s32 $0x0;
	s21 =	sshll.u32 s5, $0x1;
	s5 =	sadd.s32 s22, s3  }
0x15: {  	[timem:s7], [sflag:s23] =	dma.local [hbm:s5], s21  }
0x16: {  	_ =	swait.ge [sflag:s23], s21  }
0x17: {  	s4 =	ssub.s32 $0x0, s21;
	[sflag:s23] =	ssyncset.done $0x0  }
0x18: {  	[sflag:s23] =	ssyncadd.s32 s4;
	_ =	sdelay $0x1  }
0x19: {  	s24 =	simm.s32 $0x1B8B  }
0x1a: {  	_ =	swait.ge [sflag:s24], $0x1  }
0x1b: {  	[sflag:s24] =	ssyncset.done $0x0  }
0x1c: {  	s26 =	simm.s32 $0x1B8E;
	s25 =	sld [smem:$0x3FFE];
	[sflag:s24] =	ssyncadd.s32 $0xFFFFFFFF  }
0x1d: {  	s27 =	simm.s32 $execute0_lowered;
	[smem:$0x3FD2] =	sst s26  }
0x1e: {  	s5 =	sshll.u32 s27, $0x1;
	_ =	strace $0x80000049;
	[dreg:$0x1] =	wrdreg $0xFFFFFFFF  }
0x1f: {  	s28 =	simm.s32 $_size_execute0_lowered;
	s3 =	sadd.s32 s3, s5;
	[dreg:$0x0] =	wrdreg $0x0  }
0x20: {  	s5 =	sshll.u32 s28, $0x1;
	[dreg:$0x2] =	wrdreg s3  }
0x21: {  	[dreg:$0x3] =	wrdreg s5  }
0x22: {  	[dreg:$0x4] =	wrdreg $0xC0  }
0x23: {  	_ =	task [dreg:s7], $0x5FFFF  }
0x24: {  	[dreg:$0x1] =	wrdreg $0xFFFFFFFF  }
0x25: {  	[dreg:$0x0] =	wrdreg $0x60  }
0x26: {  	[dreg:$0x2] =	wrdreg s25  }
0x27: {  	[dreg:$0x3] =	wrdreg s2  }
0x28: {  	[dreg:$0x4] =	wrdreg $0x9  }
0x29: {  	_ =	task.clear_ibuf [dreg:s7], $0x5FFFF;
	_ =	strace $0x90000049  }
0x2a: {  	s29 =	simm.s32 $0x9;
	_ =	strace $0x8000004B  }
0x2b: {  	_ =	swait.ge [sflag:s29], $0x1  }
0x2c: {  	[sflag:s29] =	ssyncadd.s32 $0xFFFFFFFF  }
0x2d: {  	_ =	strace $0x9000004B  }
0x2e: {  	_ =	sfence  }
0x2f: {  	s30 =	sld [smem:$0x0];
	_ =	sdelay $0x2  }
0x30: {  	s31 =	sshll.u32 s1, $0xD;
	s1 =	sshrl.u32 s1, $0x2  }
0x31: {  	s3 =	sand.u32 $0x4000, s31;
	s1 =	sadd.s32 s1, s30  }
0x32: {  	s0 =	sor.u32 s3, s0;
	s1 =	sshll.u32 s1, $0x11  }
0x33: {  	s0 =	sor.u32 s1, s0  }
0x34: {  	s0 =	sadd.s32 $0x8F2B, s0  }
0x35: {  	[sflag:s0] =	ssyncadd.remote.s32 $0x1  }
0x36: {  	_ =	sfence.sel $0xFFFF  }
0x37: {  	[dreg:$0x0] =	wrdreg $0xFFFFFFFF;
	(pc) =	sbr.abs _section_cstart, $3  }
0x38: {  	[dreg:$0x1] =	wrdreg $0xFFFFFFFF  }
0x39: {  	_ =	task.clear_ibuf [dreg:s7], $0x2FFFF;
	_ =	strace $0x9FFFFFFF  }
0x3a: {  	(tm) =	ssettm $0x7FFFFFFF  }
0x3b: {  	_ =	shalt  }
tec
execute0_lowered:
.L_overlay_start_1:
0x0: {  	(tag) =	ssettag $0x1  }
0x1: {  	s0 =	srdreg.scid  }
0x2: {  	s1 =	sshll.u32 s0, $0x4  }
0x3: {  	s4 =	rddreg [dreg:$0x0];
	s0 =	stileid.u32;
	s1 =	sand.u32 $0x10, s1  }
0x4: {  	s2 =	rddreg [dreg:$0x1];
	s7 =	simm.s32 $0x1;
	s1 =	sor.u32 s0, s1  }
0x5: {  	s8 =	simm.s32 $0x2;
	s11 =	simm.s32 $0x0;
	s3 =	sshll.u32 s1, $0x7  }
0x6: {  	s10 =	simm.s32 $0x0;
	s4 =	sadd.s32 $0x800, s4;
	s6 =	ssub.s32 $0x4E200, s3  }
.Ltmp0:
0x7: {  	s1 =	rddreg [dreg:$0x2];
	s5 =	sand.u32 $0xF80, s6;
	(pc) =	sbr.rel .LBB1_1-.Ltmp0, $4  }
0x8: {  	_ =	strace $0x8000004A;
	s9 =	smov.u32 s3;
	p0 =	sne.s32 s5, $0x0  }
0x9: {  	s6 =	sshrl.u32 s6, $0xC;
	s5 =	simm.s32 $0x1;
	s7 =	simm.s32 @!p0 $0x0  }
0xa: {  	[sflag:s5] =	ssyncpa.u1 $0x0;
	p0 =	por $0x0, $0x0;
	s6 =	sadd.s32 s7, s6  }
0xb: {  	[sflag:s8] =	ssyncpa.u1 $0x0;
	s8 =	simm.s32 $0x271000;
	s7 =	sadd.s32 $0x1, s6  }
.LBB1_4:
0xc: {  	s14 =	sshll.u32 s11, $0x3  }
0xd: {  	s30 =	sand.u32 $0x7F, s11;
	s14 =	sand.u32 $0xFFFFFC00, s14  }
0xe: {  	s11 =	sor.u32 s30, s14  }
0xf: {  	s15 =	smulhi.u32 $0xD1B71759, s11;
	_ =	sdelay $0x1  }
0x10: {  	s14 =	smulhi.u32 $0xD1B71759, s14;
	s15 =	sshrl.u32 s15, $0x12  }
0x11: {  	s15 =	smul.u32 $0x4E200, s15  }
0x12: {  	s14 =	sshrl.u32 s14, $0x12  }
0x13: {  	s14 =	sand.u32 $0x3F, s14;
	s11 =	ssub.s32 s11, s15  }
0x14: {  	[tilespmem:s13+$0x810 ss:$0x81] =	vst.msk $0xffff, v2;
	s14 =	smul.u32 $0x9C40, s14;
	s15 =	sshrl.u32 s11, $0x3;
	s11 =	sand.u32 $0x7, s11  }
0x15: {  	[tilespmem:s13+$0x1020 ss:$0x81] =	vst.msk $0xffff, v0;
	s15 =	sadd.s32 s2, s15;
	s11 =	sshll.u32 s11, $0x12  }
0x16: {  	[tilespmem:s13+$0x0 ss:$0x81] =	vst.msk $0xffff, v1;
	s31 =	sadd.s32 s14, s15;
	s11 =	sor.u32 $0x400, s11  }
0x17: {  	[hbm4b:s31+s11] =	stream.strided.scatter [tilespmem:s12], [sflag:$0x2], $0x2000, s8, s11, $0x20;
	[tilespmem:$0x8080] =	vst v63  }
.LBB1_5:
0x18: {  	s13 =	sadd.s32 $0x1000, s9  }
0x19: {  	p2 =	sgt.s32 s13, $0x4E1FF  }
0x1a: {  	s13 =	smov.u32 @p2 s3;
	p2 =	sne.s32 s10, s7  }
.Ltmp1:
0x1b: {  	p1 =	slt.u32 s10, $0x2;
	(pc) =	sbr.rel @!p2 .LBB1_6-.Ltmp1, $4  }
0x1c: {  	s12 =	simm.s32 @!p1 $0x2  }
0x1d: {  	s14 =	sadd.s32 $0x1, s10;
	_ =	swait.ge @!p1 [sflag:s12], $0x2000  }
0x1e: {  	s11 =	smov.u32 s9;
	p0 =	por !p0, !p0;
	[sflag:s12] =	ssyncset.done @!p1 $0x0  }
0x1f: {  	s10 =	smov.u32 s14;
	s9 =	smov.u32 s13;
	[sflag:s12] =	ssyncadd.s32 @!p1 $0xFFFFE000  }
.LBB1_1:
0x20: {  	p1 =	sge.u32 s10, s6  }
0x21: {  	s12 =	sand.u32 @!p1 $0x1FFFFFF, s9  }
0x22: {  	s13 =	smulhi.u32 @!p1 $0x1A36E2F, s12;
	_ =	sdelay $0x1  }
0x23: {  	s13 =	sshrl.u32 @!p1 s13, $0xB  }
0x24: {  	s13 =	smul.u32 @!p1 $0x4E200, s13;
	_ =	sdelay $0x1  }
0x25: {  	s31 =	sadd.s32 $0xFFFFFFFF, s10;
	s14 =	sxor.u32 @!p1 $0xFFFFFFFF, s10;
	s12 =	ssub.s32 @!p1 s12, s13  }
0x26: {  	s15 =	simm.s32 @!p1 $0x80;
	s14 =	sshll.u32 @!p1 s14, $0xD;
	s12 =	sshll.u32 @!p1 s12, $0x4  }
0x27: {  	s13 =	sand.u32 @!p1 $0x2000, s14;
	s14 =	simm.s32 @!p1 $0x40;
	s12 =	sadd.s32 @!p1 s4, s12  }
0x28: {  	[tilespmem:s13], [sflag:$0x1] =	stream.strided.gather @!p1 [hbm4b:s12+s14], $0x2000, s15, s14, $0x38;
	[tilespmem:$0x8080] =	vst v63  }
0x29: {  	p1 =	sge.u32 s31, s6  }
.Ltmp2:
0x2a: {  	_ = 	snop;
	(pc) =	sbr.rel @p1 .LBB1_5-.Ltmp2, $1  }
0x2b: {  	_ =	sdelay $0x3  }
0x2c: {  	s12 =	simm.s32 $0x1  }
0x2d: {  	_ =	swait.ge [sflag:s5], $0x2000;
	s12 =	simm.s32 @!p0 $0x0  }
0x2e: {  	[sflag:s5] =	ssyncset.done $0x0;
	s13 =	sshll.u32 s12, $0xD  }
0x2f: {  	[sflag:s5] =	ssyncadd.s32 $0xFFFFE000;
	s16 =	sor.u32 $0x20, s13  }
0x30: {  	s12 =	smul.u32 $0x8100, s12;
	v3 =	vld [tilespmem:s16+$0x10]  }
0x31: {  	s30 =	sand.u32 $0x1, s10;
	v2 =	vld [tilespmem:s16+$0xFFFFFFF0]  }
0x32: {  	s13 =	smul.u32 $0x8100, s30;
	s12 =	sshrl.u32 s12, $0x2;
	v0 =	vld [tilespmem:s16+$0x0]  }
0x33: {  	v1 =	vld [tilespmem:s16+$0xFFFFFFE0];
	s14 =	sor.u32 $0x4000, s12  }
0x34: {  	s31 =	sshrl.u32 s13, $0x2;
	s13 =	sadd.s32 $0x0, s14  }
0x35: {  	s15 =	simm.s32 $0x4;
	s16 =	sadd.s32 $0x40, s16;
	s12 =	sor.u32 $0x4000, s31;
	[tilespmem:s13+$0x1830 ss:$0x81] =	vst.msk $0xffff, v3  }
.LBB1_3:
0x36: {  	v3 =	vld [tilespmem:s16+$0x10];
	p1 =	sne.s32 s15, $0x1FC;
	[tilespmem:s13+$0x810 ss:$0x81] =	vst.msk $0xffff, v2;
	s17 =	smov.u32 s15;
	s15 =	sadd.s32 $0x4, s15  }
.Ltmp3:
0x37: {  	v2 =	vld [tilespmem:s16+$0xFFFFFFF0];
	[tilespmem:s13+$0x1020 ss:$0x81] =	vst.msk $0xffff, v0;
	(pc) =	sbr.rel @p1 .LBB1_3-.Ltmp3, $4  }
0x38: {  	v0 =	vld [tilespmem:s16+$0x0];
	[tilespmem:s13+$0x0 ss:$0x81] =	vst.msk $0xffff, v1  }
0x39: {  	s13 =	sshra.s32 s17, $0x2;
	v1 =	vld [tilespmem:s16+$0xFFFFFFE0]  }
0x3a: {  	s13 =	sadd.s32 s13, s14  }
0x3b: {  	s16 =	sadd.s32 $0x40, s16;
	[tilespmem:s13+$0x1830 ss:$0x81] =	vst.msk $0xffff, v3  }
.Ltmp4:
0x3c: {  	_ = 	snop;
	(pc) =	sbr.rel .LBB1_4-.Ltmp4, $1  }
0x3d: {  	_ =	sdelay $0x3  }
.LBB1_6:
0x3e: {  	_ =	sfence.sel $0x180000  }
0x3f: {  	s2 =	simm.s32 $0x1;
	[bflag:$0x0] =	sbarrier.arrive $0xFFFF  }
0x40: {  	s31 =	simm.s32 $0x2;
	[sflag:s2] =	ssyncpa.u1 $0x1  }
0x41: {  	[sflag:s31] =	ssyncpa.u1 $0x1  }
0x42: {  	p0 =	sne.s32 s0, $0x0;
	_ =	strace $0x9000004A  }
0x43: {  	s0 =	sadd.s32 @!p0 $0x100000, s1;
	[bflag:$0x2] =	sbarrier.arrive $0xFFFF  }
0x44: {  	[sflag:s0] =	ssyncadd.tile.s32 @!p0 $0x1;
	_ =	shalt  }
.Lfunc_end1:
_tile_overlayer_lowered:
.L_overlay_start_2:
0x45: {  	(tag) =	ssettag $0x2  }
0x46: {  	s0 =	rddreg [dreg:$0x0];
	s2 =	stileid.u32  }
0x47: {  	s1 =	rddreg [dreg:$0x1];
	p0 =	sne.s32 s2, $0x0  }
0x48: {  	s3 =	rddreg [dreg:$0x2];
	[bflag:$0x3] =	sbarrier.arrive $0xFFFF;
	s2 =	simm.s32 @!p0 $0x1C01  }
0x49: {  	[timem:s3], [sflag:s2] =	dma.local @!p0 [hbm:s0], s1  }
0x4a: {  	s0 =	simm.s32 @!p0 $0x1  }
0x4b: {  	_ =	swait.ge @!p0 [sflag:s0], s1  }
0x4c: {  	s1 =	ssub.s32 @!p0 $0x0, s1;
	[sflag:s0] =	ssyncset.done @!p0 $0x0  }
0x4d: {  	[sflag:s0] =	ssyncadd.s32 @!p0 s1  }
0x4e: {  	[bflag:$0x3] =	sbarrier.arrive $0xFFFF  }
0x4f: {  	_ =	shalt  }

</sc_bundles>
